<compile_context>
chip_gen: v7x
topology: tpu7x:2x2x1
jax: 0.10.2.dev20260603
libtpu: 0.0.44.dev20260713+nightly
codegen_flags: <defaults>
</compile_context>

<pallas_src>
import functools

import jax
import jax.numpy as jnp
from jax import lax
from jax.experimental import pallas as pl
from jax.experimental.pallas import tpu as pltpu
from jax.experimental.pallas import tpu_sc as plsc

N_NODES = 10000
NC, NS, L = 2, 16, 16
NW = NC * NS
CHUNK = 128
NB = 3
ROWS_PER_TILE = 632
NPAD = NS * ROWS_PER_TILE
STAGE = N_NODES // NS

_MESH = plsc.VectorSubcoreMesh(
    core_axis_name="c", subcore_axis_name="s", num_cores=NC, num_subcores=NS
)
_SC_PARAMS = pltpu.CompilerParams(
    needs_layout_passes=False, use_tc_tiling_on_sc=False
)

_CORE0_FRAC = 0.5


def _split(per_tile):
    total = 2 * per_tile
    m0 = int(round(total * _CORE0_FRAC / float(NB))) * NB
    m0 = min(max(m0, NB), total - NB)
    return m0, total - m0


def _tile_coords():
    c_ax = lax.axis_index("c")
    s_ax = lax.axis_index("s")
    return c_ax, s_ax


def _deg_body(m0, m1, dst2, degp, deg_v, didx2, si):
    c_ax, s_ax = _tile_coords()
    wid = c_ax * NS + s_ax
    mm = max(m0, m1)
    is0 = c_ax == 0
    m = jnp.where(is0, m0, m1)
    base = jnp.where(is0, s_ax * m0, NS * m0 + s_ax * m1)

    cp = pltpu.async_copy(dst2.at[pl.ds(pl.multiple_of(base, NB), mm)], didx2, si)

    def zero(r, carry):
        deg_v[pl.ds(r * L, L)] = jnp.zeros((L,), jnp.float32)
        return carry

    lax.fori_loop(0, NPAD // L, zero, 0)
    cp.wait()

    ones = jnp.ones((L,), jnp.float32)

    def body(c, carry):
        for k in range(CHUNK // L):
            idx = didx2[c, pl.ds(k * L, L)]
            plsc.addupdate_scatter(deg_v, [idx], ones)
        return carry

    lax.fori_loop(0, m, body, 0)
    out_off = pl.multiple_of(wid * NPAD, 8)
    pltpu.sync_copy(deg_v, degp.at[pl.ds(out_off, NPAD)])


def _make_deg_call(m0, m1):
    return pl.kernel(
        functools.partial(_deg_body, m0, m1),
        out_type=jax.ShapeDtypeStruct((NW * NPAD,), jnp.float32),
        mesh=_MESH,
        scratch_types=[
            pltpu.VMEM((NPAD,), jnp.float32),
            pltpu.VMEM((max(m0, m1), CHUNK), jnp.int32),
            pltpu.SemaphoreType.DMA,
        ],
        compiler_params=_SC_PARAMS,
    )


def _agg_body(m0, m1, feat, g_hbm, src2, dst2, out_hbm,
              acc_sh, g_sh, sidx2, didx2, rf0, rf1, rf2,
              si, st, sg0, sg1, sg2, ss0, ss1, ss2):
    rows_f = (rf0, rf1, rf2)
    sg = (sg0, sg1, sg2)
    ss = (ss0, ss1, ss2)
    c_ax, s_ax = _tile_coords()
    mm = max(m0, m1)
    is0 = c_ax == 0
    m = jnp.where(is0, m0, m1)
    base = jnp.where(is0, s_ax * m0, NS * m0 + s_ax * m1)

    islab = pl.multiple_of(base, NB)
    cp_s = pltpu.async_copy(src2.at[pl.ds(islab, mm)], sidx2, si)
    cp_d = pltpu.async_copy(dst2.at[pl.ds(islab, mm)], didx2, si)
    cp_t = pltpu.async_copy(
        g_hbm.at[pl.ds(s_ax * STAGE, STAGE)],
        g_sh.at[pl.ds(s_ax * STAGE, STAGE)],
        st,
    )

    def zero(r, carry):
        for k in range(feat // L):
            rf0[r, pl.ds(k * L, L)] = jnp.zeros((L,), jnp.float32)
        return carry

    lax.fori_loop(0, CHUNK, zero, 0)
    slab = pl.multiple_of(s_ax * ROWS_PER_TILE, 8)
    n_full, rem = ROWS_PER_TILE // CHUNK, ROWS_PER_TILE % CHUNK
    for q in range(n_full):
        pltpu.sync_copy(rf0, acc_sh.at[pl.ds(slab + q * CHUNK, CHUNK)])
    if rem:
        pltpu.sync_copy(
            rf0.at[pl.ds(0, rem)],
            acc_sh.at[pl.ds(slab + n_full * CHUNK, rem)],
        )
    cp_s.wait()
    cp_d.wait()
    cp_t.wait()
    plsc.subcore_barrier()

    def gather_start(c, b):
        pltpu.async_copy(g_sh.at[sidx2.at[c]], rows_f[b], sg[b])

    def gather_wait(b):
        pltpu.make_async_copy(g_sh.at[sidx2.at[0]], rows_f[b], sg[b]).wait()

    def scatter_start(c, b):
        pltpu.async_copy(rows_f[b], acc_sh.at[didx2.at[c]], ss[b], add=True)

    def scatter_wait(b):
        pltpu.make_async_copy(rows_f[b], acc_sh.at[pl.ds(0, CHUNK)], ss[b]).wait()

    def outer(t, carry):
        for b in range(NB):
            c = t * NB + b
            pd = (b + 1) % NB

            @pl.when(t > 0)
            def _():
                scatter_wait(b)

            gather_start(c, b)
            if b == NB - 1:
                gather_wait(pd)
                scatter_start(c - (NB - 1), pd)
            else:
                @pl.when(t > 0)
                def _():
                    gather_wait(pd)
                    scatter_start(c - (NB - 1), pd)
        return carry

    lax.fori_loop(0, m // NB, outer, 0)

    for k in range(NB - 1):
        b = (k + 1) % NB
        gather_wait(b)
        scatter_start(m - (NB - 1) + k, b)
    for b in range(NB):
        scatter_wait(b)
    plsc.subcore_barrier()
    pltpu.sync_copy(acc_sh.at[pl.ds(slab, ROWS_PER_TILE)], out_hbm.at[c_ax, s_ax])


def _make_agg_call(m0, m1, feat):
    mm = max(m0, m1)
    return pl.kernel(
        functools.partial(_agg_body, m0, m1, feat),
        out_type=jax.ShapeDtypeStruct((NC, NS, ROWS_PER_TILE, feat), jnp.float32),
        mesh=_MESH,
        scratch_types=[
            pltpu.VMEM_SHARED((NPAD, feat), jnp.float32),
            pltpu.VMEM_SHARED((N_NODES, feat), jnp.float32),
            pltpu.VMEM((mm, CHUNK), jnp.int32),
            pltpu.VMEM((mm, CHUNK), jnp.int32),
            pltpu.VMEM((CHUNK, feat), jnp.float32),
            pltpu.VMEM((CHUNK, feat), jnp.float32),
            pltpu.VMEM((CHUNK, feat), jnp.float32),
        ] + [pltpu.SemaphoreType.DMA] * 8,
        compiler_params=_SC_PARAMS,
    )


def _dinv_col(degp):
    ones = jnp.ones((NW, 1), jnp.float32)
    deg = lax.dot_general(
        degp, ones, (((0,), (0,)), ((), ())),
        preferred_element_type=jnp.float32,
    )
    return lax.rsqrt(jnp.maximum(deg[:N_NODES], 1e-12))


def _tc1_body(x_ref, w1_ref, degp_ref, g1_ref):
    dinv = _dinv_col(degp_ref[...])
    h = jnp.dot(x_ref[...], w1_ref[...], preferred_element_type=jnp.float32)
    g1_ref[...] = h * dinv


def _tc2_body(agg_ref, degp_ref, b1_ref, w2_ref, g2_ref):
    dinv = _dinv_col(degp_ref[...])
    y = agg_ref[0, :N_NODES] + agg_ref[1, :N_NODES]
    t = jnp.maximum(dinv * y + b1_ref[...], 0.0)
    h2 = jnp.dot(t, w2_ref[...], preferred_element_type=jnp.float32)
    g2_ref[...] = h2 * dinv


def _tc3_body(agg_ref, degp_ref, b2_ref, z_ref):
    dinv = _dinv_col(degp_ref[...])
    z_ref[...] = dinv * (agg_ref[0, :N_NODES] + agg_ref[1, :N_NODES]) + b2_ref[...]


def kernel(x, edge_index, W1, b1, W2, b2):
    n_edges = edge_index.shape[1]
    hidden = W1.shape[1]
    z_dim = W2.shape[1]
    n_tot = n_edges + N_NODES
    per_tile = -(-n_tot // (NW * CHUNK * NB)) * NB
    m0, m1 = _split(per_tile)
    n_rows = NS * (m0 + m1) + max(0, m0 - m1)
    e_pad = n_rows * CHUNK

    loop = jnp.arange(N_NODES, dtype=jnp.int32)
    pad_s = jnp.zeros((e_pad - n_tot,), jnp.int32)
    pad_d = jnp.full((e_pad - n_tot,), N_NODES, jnp.int32)
    src2 = jnp.concatenate([edge_index[0], loop, pad_s]).reshape(n_rows, CHUNK)
    dst2 = jnp.concatenate([edge_index[1], loop, pad_d]).reshape(n_rows, CHUNK)

    degp = _make_deg_call(m0, m1)(dst2).reshape(NW, NPAD)

    g1 = pl.pallas_call(
        _tc1_body,
        out_shape=jax.ShapeDtypeStruct((N_NODES, hidden), jnp.float32),
    )(x, W1, degp)

    agg1 = _make_agg_call(m0, m1, hidden)(g1, src2, dst2)
    agg1 = agg1.reshape(NC, NPAD, hidden)

    g2 = pl.pallas_call(
        _tc2_body,
        out_shape=jax.ShapeDtypeStruct((N_NODES, z_dim), jnp.float32),
    )(agg1, degp, b1.reshape(1, hidden), W2)

    agg2 = _make_agg_call(m0, m1, z_dim)(g2, src2, dst2)
    agg2 = agg2.reshape(NC, NPAD, z_dim)

    z = pl.pallas_call(
        _tc3_body,
        out_shape=jax.ShapeDtypeStruct((N_NODES, z_dim), jnp.float32),
    )(agg2, degp, b2.reshape(1, z_dim))

    return z

# --- scband reference (transcript-rebuilt; emitter-appended) ---
"""Pipeline reference for scband-gaewrapper-35605278883993 (READ-ONLY COPY).

The authoritative reference and input builder live on the scoring server;
editing this copy changes nothing except your own understanding.
"""

import jax, jax.numpy as jnp
import numpy as np

N_NODES = 10000
IN_CHANNELS = 128
Z_DIM = 32
HIDDEN = 2 * Z_DIM
N_EDGES = 320000


def setup_inputs(seed: int = 0) -> dict:
    key = jax.random.key(seed)
    k1, k2, k3, k4 = jax.random.split(key, 4)
    x = jax.random.normal(k1, (N_NODES, IN_CHANNELS), dtype=jnp.float32)
    edge_index = jax.random.randint(k2, (2, N_EDGES), 0, N_NODES, dtype=jnp.int32)
    # GCNConv weights (glorot-ish init) and biases, matching GCNEncoder:
    # conv1: in_channels -> 2*z_dim, conv2: 2*z_dim -> z_dim
    W1 = jax.random.normal(k3, (IN_CHANNELS, HIDDEN), dtype=jnp.float32) * (1.0 / np.sqrt(IN_CHANNELS))
    b1 = jnp.zeros((HIDDEN,), dtype=jnp.float32)
    W2 = jax.random.normal(k4, (HIDDEN, Z_DIM), dtype=jnp.float32) * (1.0 / np.sqrt(HIDDEN))
    b2 = jnp.zeros((Z_DIM,), dtype=jnp.float32)
    return {"x": x, "edge_index": edge_index, "W1": W1, "b1": b1, "W2": W2, "b2": b2}


def _gcn_conv(x, src, dst, W, b):
    # GCNConv with added self-loops and symmetric normalization D^{-1/2} A D^{-1/2}
    N = x.shape[0]
    loop = jnp.arange(N, dtype=src.dtype)
    s = jnp.concatenate([src, loop])
    d = jnp.concatenate([dst, loop])
    deg = jnp.zeros((N,), dtype=x.dtype).at[d].add(1.0)
    dinv = jax.lax.rsqrt(jnp.maximum(deg, 1e-12))
    norm = dinv[s] * dinv[d]
    h = x @ W
    msg = jnp.take(h, s, axis=0) * norm[:, None]
    out = jnp.zeros((N, h.shape[1]), dtype=h.dtype).at[d].add(msg)
    return out + b


def reference(x, edge_index, W1, b1, W2, b2):
    # GAEWrapper forward: encode with GCNEncoder -> latent z
    src = edge_index[0]
    dst = edge_index[1]
    h = jax.nn.relu(_gcn_conv(x, src, dst, W1, b1))
    z = _gcn_conv(h, src, dst, W2, b2)
    return z

if __name__ == "__main__":
    import jax
    _d = setup_inputs()
    print(jax.jit(kernel)(*tuple(_d.values())))

</pallas_src>

<mosaic_0001>
#map = affine_map<(d0, d1) -> (0, 0)>
#map1 = affine_map<(d0, d1) -> (0)>
module attributes {stable_mosaic.version = 14 : i64} {
  func.func @_deg_body(%arg0: i32, %arg1: i32, %arg2: memref<2592x128xi32, #tpu.memory_space<hbm>>, %arg3: memref<323584xf32, #tpu.memory_space<hbm>>, %arg4: memref<10112xf32, #tpu.memory_space<vmem>>, %arg5: memref<81x128xi32, #tpu.memory_space<vmem>>, %arg6: memref<!tpu.dma_semaphore, #tpu.memory_space<semaphore_mem>>) attributes {dimension_semantics = [#tpu.dimension_semantics<core_parallel>, #tpu.dimension_semantics<subcore_parallel>], iteration_bounds = array<i64: 2, 16>, scalar_prefetch = 0 : i64, scratch_operands = 3 : i64, tpu.core_type = #tpu.core_type<sc_vector_subcore>, window_params = [{transform_indices = #map}, {transform_indices = #map1}]} {
    %mul3A = arith.constant 16 : i32
    %mul3A_0 = arith.muli %arg0, %mul3A : i32
    %add3A = arith.addi %mul3A_0, %arg1 : i32
    %eq3A = arith.constant 0 : i32
    %eq3A_1 = arith.cmpi eq, %arg0, %eq3A : i32
    %jit3A = arith.constant 81 : i32
    %jit3A_2 = arith.constant 81 : i32
    %select_n3A = arith.select %eq3A_1, %jit3A, %jit3A_2 : i32
    %mul3A_3 = arith.constant 81 : i32
    %mul3A_4 = arith.muli %arg1, %mul3A_3 : i32
    %mul3A_5 = arith.constant 81 : i32
    %mul3A_6 = arith.muli %arg1, %mul3A_5 : i32
    %add3A_7 = arith.constant 1296 : i32
    %add3A_8 = arith.addi %add3A_7, %mul3A_6 : i32
    %select_n3A_9 = arith.select %eq3A_1, %mul3A_4, %add3A_8 : i32
    %multiple_of3A = tpu.assume_multiple %select_n3A_9, 3 : i32
    %dma_start3A = arith.constant 0 : i32
    %dma_start3A_10 = tpu.memref_slice %arg2[%multiple_of3A, %dma_start3A] : memref<2592x128xi32, #tpu.memory_space<hbm>> -> memref<81x128xi32, #tpu.memory_space<hbm>>
    %dma_start3A_11 = arith.constant 0 : i32
    %dma_start3A_12 = tpu.memref_slice %arg2[%multiple_of3A, %dma_start3A_11] : memref<2592x128xi32, #tpu.memory_space<hbm>> -> memref<81x128xi32, #tpu.memory_space<hbm>>
    tpu.enqueue_dma source(%dma_start3A_12 : memref<81x128xi32, #tpu.memory_space<hbm>>) target(%arg5 : memref<81x128xi32, #tpu.memory_space<vmem>>) target_semaphore(%arg6 : memref<!tpu.dma_semaphore, #tpu.memory_space<semaphore_mem>>)
    %scan3A = arith.constant 0 : i32
    %scan3A_13 = arith.constant 0 : i32
    %scan3A_14 = arith.constant 632 : i32
    %scan3A_15 = arith.addi %scan3A_13, %scan3A_14 : i32
    %scan3A_16 = arith.constant 1 : i32
    scf.for %scan3A_34 = %scan3A_13 to %scan3A_15 step %scan3A_16  : i32 {
      %broadcast_in_dim3A_35 = arith.constant 0.000000e+00 : f32
      %broadcast_in_dim3A_36 = vector.broadcast %broadcast_in_dim3A_35 : f32 to vector<16xf32>
      %mul3A_37 = arith.constant 16 : i32
      %mul3A_38 = arith.muli %scan3A_34, %mul3A_37 : i32
      %swap3A = arith.index_cast %mul3A_38 : i32 to index
      %swap3A_39 = tpu.vector_load %arg4[%swap3A] {strides = array<i32>} : memref<10112xf32, #tpu.memory_space<vmem>>, vector<16xf32>,
      tpu.vector_store %arg4[%swap3A], %broadcast_in_dim3A_36 {strides = array<i32>} : memref<10112xf32, #tpu.memory_space<vmem>>, vector<16xf32>,
    }
    %scan3A_17 = arith.constant 632 : i32
    %dma_wait3A = arith.constant 0 : i32
    %dma_wait3A_18 = tpu.memref_slice %arg2[%multiple_of3A, %dma_wait3A] : memref<2592x128xi32, #tpu.memory_space<hbm>> -> memref<81x128xi32, #tpu.memory_space<hbm>>
    %dma_wait3A_19 = arith.constant 0 : i32
    %dma_wait3A_20 = tpu.memref_slice %arg2[%multiple_of3A, %dma_wait3A_19] : memref<2592x128xi32, #tpu.memory_space<hbm>> -> memref<81x128xi32, #tpu.memory_space<hbm>>
    tpu.wait_dma2 semaphore(%arg6 : memref<!tpu.dma_semaphore, #tpu.memory_space<semaphore_mem>>) src(%dma_wait3A_20 : memref<81x128xi32, #tpu.memory_space<hbm>>) dst(%arg5 : memref<81x128xi32, #tpu.memory_space<vmem>>)
    %broadcast_in_dim3A = arith.constant 1.000000e+00 : f32
    %broadcast_in_dim3A_21 = vector.broadcast %broadcast_in_dim3A : f32 to vector<16xf32>
    %while3A = arith.constant 0 : i32
    %while3A_22 = arith.constant 0 : i32
    %while3A_23 = arith.subi %select_n3A, %while3A_22 : i32
    %while3A_24 = arith.addi %while3A_22, %while3A_23 : i32
    %while3A_25 = arith.constant 1 : i32
    %while3A_26 = arith.divsi %while3A_23, %while3A_25 : i32
    %while3A_27 = arith.muli %while3A_26, %while3A_25 : i32
    %while3A_28 = arith.addi %while3A_22, %while3A_27 : i32
    %while3A_29 = arith.constant 1 : i32
    scf.for %while3A_34 = %while3A_22 to %while3A_28 step %while3A_29  : i32 {
      %get3A = arith.index_cast %while3A_34 : i32 to index
      %get3A_35 = arith.constant 0 : index
      %get3A_36 = tpu.vector_load %arg5[%get3A, %get3A_35] {strides = array<i32>} : memref<81x128xi32, #tpu.memory_space<vmem>>, vector<16xi32>,
      tpu.vector_store_idx %arg4[%get3A_36], %broadcast_in_dim3A_21 {add = true} : memref<10112xf32, #tpu.memory_space<vmem>>[vector<16xi32>], vector<16xf32>,
      %get3A_37 = arith.index_cast %while3A_34 : i32 to index
      %get3A_38 = arith.constant 16 : index
      %get3A_39 = tpu.vector_load %arg5[%get3A_37, %get3A_38] {strides = array<i32>} : memref<81x128xi32, #tpu.memory_space<vmem>>, vector<16xi32>,
      tpu.vector_store_idx %arg4[%get3A_39], %broadcast_in_dim3A_21 {add = true} : memref<10112xf32, #tpu.memory_space<vmem>>[vector<16xi32>], vector<16xf32>,
      %get3A_40 = arith.index_cast %while3A_34 : i32 to index
      %get3A_41 = arith.constant 32 : index
      %get3A_42 = tpu.vector_load %arg5[%get3A_40, %get3A_41] {strides = array<i32>} : memref<81x128xi32, #tpu.memory_space<vmem>>, vector<16xi32>,
      tpu.vector_store_idx %arg4[%get3A_42], %broadcast_in_dim3A_21 {add = true} : memref<10112xf32, #tpu.memory_space<vmem>>[vector<16xi32>], vector<16xf32>,
      %get3A_43 = arith.index_cast %while3A_34 : i32 to index
      %get3A_44 = arith.constant 48 : index
      %get3A_45 = tpu.vector_load %arg5[%get3A_43, %get3A_44] {strides = array<i32>} : memref<81x128xi32, #tpu.memory_space<vmem>>, vector<16xi32>,
      tpu.vector_store_idx %arg4[%get3A_45], %broadcast_in_dim3A_21 {add = true} : memref<10112xf32, #tpu.memory_space<vmem>>[vector<16xi32>], vector<16xf32>,
      %get3A_46 = arith.index_cast %while3A_34 : i32 to index
      %get3A_47 = arith.constant 64 : index
      %get3A_48 = tpu.vector_load %arg5[%get3A_46, %get3A_47] {strides = array<i32>} : memref<81x128xi32, #tpu.memory_space<vmem>>, vector<16xi32>,
      tpu.vector_store_idx %arg4[%get3A_48], %broadcast_in_dim3A_21 {add = true} : memref<10112xf32, #tpu.memory_space<vmem>>[vector<16xi32>], vector<16xf32>,
      %get3A_49 = arith.index_cast %while3A_34 : i32 to index
      %get3A_50 = arith.constant 80 : index
      %get3A_51 = tpu.vector_load %arg5[%get3A_49, %get3A_50] {strides = array<i32>} : memref<81x128xi32, #tpu.memory_space<vmem>>, vector<16xi32>,
      tpu.vector_store_idx %arg4[%get3A_51], %broadcast_in_dim3A_21 {add = true} : memref<10112xf32, #tpu.memory_space<vmem>>[vector<16xi32>], vector<16xf32>,
      %get3A_52 = arith.index_cast %while3A_34 : i32 to index
      %get3A_53 = arith.constant 96 : index
      %get3A_54 = tpu.vector_load %arg5[%get3A_52, %get3A_53] {strides = array<i32>} : memref<81x128xi32, #tpu.memory_space<vmem>>, vector<16xi32>,
      tpu.vector_store_idx %arg4[%get3A_54], %broadcast_in_dim3A_21 {add = true} : memref<10112xf32, #tpu.memory_space<vmem>>[vector<16xi32>], vector<16xf32>,
      %get3A_55 = arith.index_cast %while3A_34 : i32 to index
      %get3A_56 = arith.constant 112 : index
      %get3A_57 = tpu.vector_load %arg5[%get3A_55, %get3A_56] {strides = array<i32>} : memref<81x128xi32, #tpu.memory_space<vmem>>, vector<16xi32>,
      tpu.vector_store_idx %arg4[%get3A_57], %broadcast_in_dim3A_21 {add = true} : memref<10112xf32, #tpu.memory_space<vmem>>[vector<16xi32>], vector<16xf32>,
    }
    %while3A_30 = arith.constant 1 : i32
    scf.for %while3A_34 = %while3A_28 to %while3A_24 step %while3A_30  : i32 {
      %get3A = arith.index_cast %while3A_34 : i32 to index
      %get3A_35 = arith.constant 0 : index
      %get3A_36 = tpu.vector_load %arg5[%get3A, %get3A_35] {strides = array<i32>} : memref<81x128xi32, #tpu.memory_space<vmem>>, vector<16xi32>,
      tpu.vector_store_idx %arg4[%get3A_36], %broadcast_in_dim3A_21 {add = true} : memref<10112xf32, #tpu.memory_space<vmem>>[vector<16xi32>], vector<16xf32>,
      %get3A_37 = arith.index_cast %while3A_34 : i32 to index
      %get3A_38 = arith.constant 16 : index
      %get3A_39 = tpu.vector_load %arg5[%get3A_37, %get3A_38] {strides = array<i32>} : memref<81x128xi32, #tpu.memory_space<vmem>>, vector<16xi32>,
      tpu.vector_store_idx %arg4[%get3A_39], %broadcast_in_dim3A_21 {add = true} : memref<10112xf32, #tpu.memory_space<vmem>>[vector<16xi32>], vector<16xf32>,
      %get3A_40 = arith.index_cast %while3A_34 : i32 to index
      %get3A_41 = arith.constant 32 : index
      %get3A_42 = tpu.vector_load %arg5[%get3A_40, %get3A_41] {strides = array<i32>} : memref<81x128xi32, #tpu.memory_space<vmem>>, vector<16xi32>,
      tpu.vector_store_idx %arg4[%get3A_42], %broadcast_in_dim3A_21 {add = true} : memref<10112xf32, #tpu.memory_space<vmem>>[vector<16xi32>], vector<16xf32>,
      %get3A_43 = arith.index_cast %while3A_34 : i32 to index
      %get3A_44 = arith.constant 48 : index
      %get3A_45 = tpu.vector_load %arg5[%get3A_43, %get3A_44] {strides = array<i32>} : memref<81x128xi32, #tpu.memory_space<vmem>>, vector<16xi32>,
      tpu.vector_store_idx %arg4[%get3A_45], %broadcast_in_dim3A_21 {add = true} : memref<10112xf32, #tpu.memory_space<vmem>>[vector<16xi32>], vector<16xf32>,
      %get3A_46 = arith.index_cast %while3A_34 : i32 to index
      %get3A_47 = arith.constant 64 : index
      %get3A_48 = tpu.vector_load %arg5[%get3A_46, %get3A_47] {strides = array<i32>} : memref<81x128xi32, #tpu.memory_space<vmem>>, vector<16xi32>,
      tpu.vector_store_idx %arg4[%get3A_48], %broadcast_in_dim3A_21 {add = true} : memref<10112xf32, #tpu.memory_space<vmem>>[vector<16xi32>], vector<16xf32>,
      %get3A_49 = arith.index_cast %while3A_34 : i32 to index
      %get3A_50 = arith.constant 80 : index
      %get3A_51 = tpu.vector_load %arg5[%get3A_49, %get3A_50] {strides = array<i32>} : memref<81x128xi32, #tpu.memory_space<vmem>>, vector<16xi32>,
      tpu.vector_store_idx %arg4[%get3A_51], %broadcast_in_dim3A_21 {add = true} : memref<10112xf32, #tpu.memory_space<vmem>>[vector<16xi32>], vector<16xf32>,
      %get3A_52 = arith.index_cast %while3A_34 : i32 to index
      %get3A_53 = arith.constant 96 : index
      %get3A_54 = tpu.vector_load %arg5[%get3A_52, %get3A_53] {strides = array<i32>} : memref<81x128xi32, #tpu.memory_space<vmem>>, vector<16xi32>,
      tpu.vector_store_idx %arg4[%get3A_54], %broadcast_in_dim3A_21 {add = true} : memref<10112xf32, #tpu.memory_space<vmem>>[vector<16xi32>], vector<16xf32>,
      %get3A_55 = arith.index_cast %while3A_34 : i32 to index
      %get3A_56 = arith.constant 112 : index
      %get3A_57 = tpu.vector_load %arg5[%get3A_55, %get3A_56] {strides = array<i32>} : memref<81x128xi32, #tpu.memory_space<vmem>>, vector<16xi32>,
      tpu.vector_store_idx %arg4[%get3A_57], %broadcast_in_dim3A_21 {add = true} : memref<10112xf32, #tpu.memory_space<vmem>>[vector<16xi32>], vector<16xf32>,
    }
    %mul3A_31 = arith.constant 10112 : i32
    %mul3A_32 = arith.muli %add3A, %mul3A_31 : i32
    %multiple_of3A_33 = tpu.assume_multiple %mul3A_32, 8 : i32
    "tpu.region"() ({
      %run_scoped3A = tpu.sem_alloc : memref<!tpu.dma_semaphore, #tpu.memory_space<semaphore_mem>>
      %dma_start3A_34 = tpu.memref_slice %arg3[%multiple_of3A_33] : memref<323584xf32, #tpu.memory_space<hbm>> -> memref<10112xf32, #tpu.memory_space<hbm>>
      %dma_start3A_35 = tpu.memref_slice %arg3[%multiple_of3A_33] : memref<323584xf32, #tpu.memory_space<hbm>> -> memref<10112xf32, #tpu.memory_space<hbm>>
      tpu.enqueue_dma source(%arg4 : memref<10112xf32, #tpu.memory_space<vmem>>) target(%dma_start3A_35 : memref<10112xf32, #tpu.memory_space<hbm>>) target_semaphore(%run_scoped3A : memref<!tpu.dma_semaphore, #tpu.memory_space<semaphore_mem>>)
      %dma_wait3A_36 = tpu.memref_slice %arg3[%multiple_of3A_33] : memref<323584xf32, #tpu.memory_space<hbm>> -> memref<10112xf32, #tpu.memory_space<hbm>>
      %dma_wait3A_37 = tpu.memref_slice %arg3[%multiple_of3A_33] : memref<323584xf32, #tpu.memory_space<hbm>> -> memref<10112xf32, #tpu.memory_space<hbm>>
      tpu.wait_dma2 semaphore(%run_scoped3A : memref<!tpu.dma_semaphore, #tpu.memory_space<semaphore_mem>>) src(%arg4 : memref<10112xf32, #tpu.memory_space<vmem>>) dst(%dma_wait3A_37 : memref<10112xf32, #tpu.memory_space<hbm>>)
      tpu.yield
    }) : () -> ()
    return
  }
}

#map = affine_map<(d0, d1) -> (0, 0)>
#map1 = affine_map<(d0, d1) -> (0, 0, 0, 0)>
module attributes {stable_mosaic.version = 14 : i64} {
  func.func @_agg_body(%arg0: i32, %arg1: i32, %arg2: memref<10000x32xf32, #tpu.memory_space<hbm>>, %arg3: memref<2592x128xi32, #tpu.memory_space<hbm>>, %arg4: memref<2592x128xi32, #tpu.memory_space<hbm>>, %arg5: memref<2x16x632x32xf32, #tpu.memory_space<hbm>>, %arg6: memref<10112x32xf32, #tpu.memory_space<vmem_shared>>, %arg7: memref<10000x32xf32, #tpu.memory_space<vmem_shared>>, %arg8: memref<81x128xi32, #tpu.memory_space<vmem>>, %arg9: memref<81x128xi32, #tpu.memory_space<vmem>>, %arg10: memref<128x32xf32, #tpu.memory_space<vmem>>, %arg11: memref<128x32xf32, #tpu.memory_space<vmem>>, %arg12: memref<128x32xf32, #tpu.memory_space<vmem>>, %arg13: memref<!tpu.dma_semaphore, #tpu.memory_space<semaphore_mem>>, %arg14: memref<!tpu.dma_semaphore, #tpu.memory_space<semaphore_mem>>, %arg15: memref<!tpu.dma_semaphore, #tpu.memory_space<semaphore_mem>>, %arg16: memref<!tpu.dma_semaphore, #tpu.memory_space<semaphore_mem>>, %arg17: memref<!tpu.dma_semaphore, #tpu.memory_space<semaphore_mem>>, %arg18: memref<!tpu.dma_semaphore, #tpu.memory_space<semaphore_mem>>, %arg19: memref<!tpu.dma_semaphore, #tpu.memory_space<semaphore_mem>>, %arg20: memref<!tpu.dma_semaphore, #tpu.memory_space<semaphore_mem>>) attributes {dimension_semantics = [#tpu.dimension_semantics<core_parallel>, #tpu.dimension_semantics<subcore_parallel>], iteration_bounds = array<i64: 2, 16>, scalar_prefetch = 0 : i64, scratch_operands = 15 : i64, tpu.core_type = #tpu.core_type<sc_vector_subcore>, window_params = [{transform_indices = #map}, {transform_indices = #map}, {transform_indices = #map}, {transform_indices = #map1}]} {
    %eq3A = arith.constant 0 : i32
    %eq3A_0 = arith.cmpi eq, %arg0, %eq3A : i32
    %jit3A = arith.constant 81 : i32
    %jit3A_1 = arith.constant 81 : i32
    %select_n3A = arith.select %eq3A_0, %jit3A, %jit3A_1 : i32
    %mul3A = arith.constant 81 : i32
    %mul3A_2 = arith.muli %arg1, %mul3A : i32
    %mul3A_3 = arith.constant 81 : i32
    %mul3A_4 = arith.muli %arg1, %mul3A_3 : i32
    %add3A = arith.constant 1296 : i32
    %add3A_5 = arith.addi %add3A, %mul3A_4 : i32
    %select_n3A_6 = arith.select %eq3A_0, %mul3A_2, %add3A_5 : i32
    %multiple_of3A = tpu.assume_multiple %select_n3A_6, 3 : i32
    %dma_start3A = arith.constant 0 : i32
    %dma_start3A_7 = tpu.memref_slice %arg3[%multiple_of3A, %dma_start3A] : memref<2592x128xi32, #tpu.memory_space<hbm>> -> memref<81x128xi32, #tpu.memory_space<hbm>>
    %dma_start3A_8 = arith.constant 0 : i32
    %dma_start3A_9 = tpu.memref_slice %arg3[%multiple_of3A, %dma_start3A_8] : memref<2592x128xi32, #tpu.memory_space<hbm>> -> memref<81x128xi32, #tpu.memory_space<hbm>>
    tpu.enqueue_dma source(%dma_start3A_9 : memref<81x128xi32, #tpu.memory_space<hbm>>) target(%arg8 : memref<81x128xi32, #tpu.memory_space<vmem>>) target_semaphore(%arg13 : memref<!tpu.dma_semaphore, #tpu.memory_space<semaphore_mem>>)
    %dma_start3A_10 = arith.constant 0 : i32
    %dma_start3A_11 = tpu.memref_slice %arg4[%multiple_of3A, %dma_start3A_10] : memref<2592x128xi32, #tpu.memory_space<hbm>> -> memref<81x128xi32, #tpu.memory_space<hbm>>
    %dma_start3A_12 = arith.constant 0 : i32
    %dma_start3A_13 = tpu.memref_slice %arg4[%multiple_of3A, %dma_start3A_12] : memref<2592x128xi32, #tpu.memory_space<hbm>> -> memref<81x128xi32, #tpu.memory_space<hbm>>
    tpu.enqueue_dma source(%dma_start3A_13 : memref<81x128xi32, #tpu.memory_space<hbm>>) target(%arg9 : memref<81x128xi32, #tpu.memory_space<vmem>>) target_semaphore(%arg13 : memref<!tpu.dma_semaphore, #tpu.memory_space<semaphore_mem>>)
    %mul3A_14 = arith.constant 625 : i32
    %mul3A_15 = arith.muli %arg1, %mul3A_14 : i32
    %mul3A_16 = arith.constant 625 : i32
    %mul3A_17 = arith.muli %arg1, %mul3A_16 : i32
    %dma_start3A_18 = arith.constant 0 : i32
    %dma_start3A_19 = tpu.memref_slice %arg7[%mul3A_17, %dma_start3A_18] : memref<10000x32xf32, #tpu.memory_space<vmem_shared>> -> memref<625x32xf32, #tpu.memory_space<vmem_shared>>
    %dma_start3A_20 = arith.constant 0 : i32
    %dma_start3A_21 = tpu.memref_slice %arg2[%mul3A_15, %dma_start3A_20] : memref<10000x32xf32, #tpu.memory_space<hbm>> -> memref<625x32xf32, #tpu.memory_space<hbm>>
    tpu.enqueue_dma source(%dma_start3A_21 : memref<625x32xf32, #tpu.memory_space<hbm>>) target(%dma_start3A_19 : memref<625x32xf32, #tpu.memory_space<vmem_shared>>) target_semaphore(%arg14 : memref<!tpu.dma_semaphore, #tpu.memory_space<semaphore_mem>>)
    %scan3A = arith.constant 0 : i32
    %scan3A_22 = arith.constant 0 : i32
    %scan3A_23 = arith.constant 128 : i32
    %scan3A_24 = arith.addi %scan3A_22, %scan3A_23 : i32
    %scan3A_25 = arith.constant 1 : i32
    scf.for %scan3A_131 = %scan3A_22 to %scan3A_24 step %scan3A_25  : i32 {
      %broadcast_in_dim3A = arith.constant 0.000000e+00 : f32
      %broadcast_in_dim3A_132 = vector.broadcast %broadcast_in_dim3A : f32 to vector<16xf32>
      %swap3A = arith.index_cast %scan3A_131 : i32 to index
      %swap3A_133 = arith.constant 0 : index
      %swap3A_134 = tpu.vector_load %arg10[%swap3A, %swap3A_133] {strides = array<i32>} : memref<128x32xf32, #tpu.memory_space<vmem>>, vector<16xf32>,
      tpu.vector_store %arg10[%swap3A, %swap3A_133], %broadcast_in_dim3A_132 {strides = array<i32>} : memref<128x32xf32, #tpu.memory_space<vmem>>, vector<16xf32>,
      %broadcast_in_dim3A_135 = arith.constant 0.000000e+00 : f32
      %broadcast_in_dim3A_136 = vector.broadcast %broadcast_in_dim3A_135 : f32 to vector<16xf32>
      %swap3A_137 = arith.index_cast %scan3A_131 : i32 to index
      %swap3A_138 = arith.constant 16 : index
      %swap3A_139 = tpu.vector_load %arg10[%swap3A_137, %swap3A_138] {strides = array<i32>} : memref<128x32xf32, #tpu.memory_space<vmem>>, vector<16xf32>,
      tpu.vector_store %arg10[%swap3A_137, %swap3A_138], %broadcast_in_dim3A_136 {strides = array<i32>} : memref<128x32xf32, #tpu.memory_space<vmem>>, vector<16xf32>,
    }
    %scan3A_26 = arith.constant 128 : i32
    %mul3A_27 = arith.constant 632 : i32
    %mul3A_28 = arith.muli %arg1, %mul3A_27 : i32
    %multiple_of3A_29 = tpu.assume_multiple %mul3A_28, 8 : i32
    %add3A_30 = arith.constant 0 : i32
    %add3A_31 = arith.addi %multiple_of3A_29, %add3A_30 : i32
    "tpu.region"() ({
      %run_scoped3A = tpu.sem_alloc : memref<!tpu.dma_semaphore, #tpu.memory_space<semaphore_mem>>
      %dma_start3A_131 = arith.constant 0 : i32
      %dma_start3A_132 = tpu.memref_slice %arg6[%add3A_31, %dma_start3A_131] : memref<10112x32xf32, #tpu.memory_space<vmem_shared>> -> memref<128x32xf32, #tpu.memory_space<vmem_shared>>
      %dma_start3A_133 = arith.constant 0 : i32
      %dma_start3A_134 = tpu.memref_slice %arg6[%add3A_31, %dma_start3A_133] : memref<10112x32xf32, #tpu.memory_space<vmem_shared>> -> memref<128x32xf32, #tpu.memory_space<vmem_shared>>
      tpu.enqueue_dma source(%arg10 : memref<128x32xf32, #tpu.memory_space<vmem>>) target(%dma_start3A_134 : memref<128x32xf32, #tpu.memory_space<vmem_shared>>) target_semaphore(%run_scoped3A : memref<!tpu.dma_semaphore, #tpu.memory_space<semaphore_mem>>)
      %dma_wait3A_135 = arith.constant 0 : i32
      %dma_wait3A_136 = tpu.memref_slice %arg6[%add3A_31, %dma_wait3A_135] : memref<10112x32xf32, #tpu.memory_space<vmem_shared>> -> memref<128x32xf32, #tpu.memory_space<vmem_shared>>
      %dma_wait3A_137 = arith.constant 0 : i32
      %dma_wait3A_138 = tpu.memref_slice %arg6[%add3A_31, %dma_wait3A_137] : memref<10112x32xf32, #tpu.memory_space<vmem_shared>> -> memref<128x32xf32, #tpu.memory_space<vmem_shared>>
      tpu.wait_dma2 semaphore(%run_scoped3A : memref<!tpu.dma_semaphore, #tpu.memory_space<semaphore_mem>>) src(%arg10 : memref<128x32xf32, #tpu.memory_space<vmem>>) dst(%dma_wait3A_138 : memref<128x32xf32, #tpu.memory_space<vmem_shared>>)
      tpu.yield
    }) : () -> ()
    %add3A_32 = arith.constant 128 : i32
    %add3A_33 = arith.addi %multiple_of3A_29, %add3A_32 : i32
    "tpu.region"() ({
      %run_scoped3A = tpu.sem_alloc : memref<!tpu.dma_semaphore, #tpu.memory_space<semaphore_mem>>
      %dma_start3A_131 = arith.constant 0 : i32
      %dma_start3A_132 = tpu.memref_slice %arg6[%add3A_33, %dma_start3A_131] : memref<10112x32xf32, #tpu.memory_space<vmem_shared>> -> memref<128x32xf32, #tpu.memory_space<vmem_shared>>
      %dma_start3A_133 = arith.constant 0 : i32
      %dma_start3A_134 = tpu.memref_slice %arg6[%add3A_33, %dma_start3A_133] : memref<10112x32xf32, #tpu.memory_space<vmem_shared>> -> memref<128x32xf32, #tpu.memory_space<vmem_shared>>
      tpu.enqueue_dma source(%arg10 : memref<128x32xf32, #tpu.memory_space<vmem>>) target(%dma_start3A_134 : memref<128x32xf32, #tpu.memory_space<vmem_shared>>) target_semaphore(%run_scoped3A : memref<!tpu.dma_semaphore, #tpu.memory_space<semaphore_mem>>)
      %dma_wait3A_135 = arith.constant 0 : i32
      %dma_wait3A_136 = tpu.memref_slice %arg6[%add3A_33, %dma_wait3A_135] : memref<10112x32xf32, #tpu.memory_space<vmem_shared>> -> memref<128x32xf32, #tpu.memory_space<vmem_shared>>
      %dma_wait3A_137 = arith.constant 0 : i32
      %dma_wait3A_138 = tpu.memref_slice %arg6[%add3A_33, %dma_wait3A_137] : memref<10112x32xf32, #tpu.memory_space<vmem_shared>> -> memref<128x32xf32, #tpu.memory_space<vmem_shared>>
      tpu.wait_dma2 semaphore(%run_scoped3A : memref<!tpu.dma_semaphore, #tpu.memory_space<semaphore_mem>>) src(%arg10 : memref<128x32xf32, #tpu.memory_space<vmem>>) dst(%dma_wait3A_138 : memref<128x32xf32, #tpu.memory_space<vmem_shared>>)
      tpu.yield
    }) : () -> ()
    %add3A_34 = arith.constant 256 : i32
    %add3A_35 = arith.addi %multiple_of3A_29, %add3A_34 : i32
    "tpu.region"() ({
      %run_scoped3A = tpu.sem_alloc : memref<!tpu.dma_semaphore, #tpu.memory_space<semaphore_mem>>
      %dma_start3A_131 = arith.constant 0 : i32
      %dma_start3A_132 = tpu.memref_slice %arg6[%add3A_35, %dma_start3A_131] : memref<10112x32xf32, #tpu.memory_space<vmem_shared>> -> memref<128x32xf32, #tpu.memory_space<vmem_shared>>
      %dma_start3A_133 = arith.constant 0 : i32
      %dma_start3A_134 = tpu.memref_slice %arg6[%add3A_35, %dma_start3A_133] : memref<10112x32xf32, #tpu.memory_space<vmem_shared>> -> memref<128x32xf32, #tpu.memory_space<vmem_shared>>
      tpu.enqueue_dma source(%arg10 : memref<128x32xf32, #tpu.memory_space<vmem>>) target(%dma_start3A_134 : memref<128x32xf32, #tpu.memory_space<vmem_shared>>) target_semaphore(%run_scoped3A : memref<!tpu.dma_semaphore, #tpu.memory_space<semaphore_mem>>)
      %dma_wait3A_135 = arith.constant 0 : i32
      %dma_wait3A_136 = tpu.memref_slice %arg6[%add3A_35, %dma_wait3A_135] : memref<10112x32xf32, #tpu.memory_space<vmem_shared>> -> memref<128x32xf32, #tpu.memory_space<vmem_shared>>
      %dma_wait3A_137 = arith.constant 0 : i32
      %dma_wait3A_138 = tpu.memref_slice %arg6[%add3A_35, %dma_wait3A_137] : memref<10112x32xf32, #tpu.memory_space<vmem_shared>> -> memref<128x32xf32, #tpu.memory_space<vmem_shared>>
      tpu.wait_dma2 semaphore(%run_scoped3A : memref<!tpu.dma_semaphore, #tpu.memory_space<semaphore_mem>>) src(%arg10 : memref<128x32xf32, #tpu.memory_space<vmem>>) dst(%dma_wait3A_138 : memref<128x32xf32, #tpu.memory_space<vmem_shared>>)
      tpu.yield
    }) : () -> ()
    %add3A_36 = arith.constant 384 : i32
    %add3A_37 = arith.addi %multiple_of3A_29, %add3A_36 : i32
    "tpu.region"() ({
      %run_scoped3A = tpu.sem_alloc : memref<!tpu.dma_semaphore, #tpu.memory_space<semaphore_mem>>
      %dma_start3A_131 = arith.constant 0 : i32
      %dma_start3A_132 = tpu.memref_slice %arg6[%add3A_37, %dma_start3A_131] : memref<10112x32xf32, #tpu.memory_space<vmem_shared>> -> memref<128x32xf32, #tpu.memory_space<vmem_shared>>
      %dma_start3A_133 = arith.constant 0 : i32
      %dma_start3A_134 = tpu.memref_slice %arg6[%add3A_37, %dma_start3A_133] : memref<10112x32xf32, #tpu.memory_space<vmem_shared>> -> memref<128x32xf32, #tpu.memory_space<vmem_shared>>
      tpu.enqueue_dma source(%arg10 : memref<128x32xf32, #tpu.memory_space<vmem>>) target(%dma_start3A_134 : memref<128x32xf32, #tpu.memory_space<vmem_shared>>) target_semaphore(%run_scoped3A : memref<!tpu.dma_semaphore, #tpu.memory_space<semaphore_mem>>)
      %dma_wait3A_135 = arith.constant 0 : i32
      %dma_wait3A_136 = tpu.memref_slice %arg6[%add3A_37, %dma_wait3A_135] : memref<10112x32xf32, #tpu.memory_space<vmem_shared>> -> memref<128x32xf32, #tpu.memory_space<vmem_shared>>
      %dma_wait3A_137 = arith.constant 0 : i32
      %dma_wait3A_138 = tpu.memref_slice %arg6[%add3A_37, %dma_wait3A_137] : memref<10112x32xf32, #tpu.memory_space<vmem_shared>> -> memref<128x32xf32, #tpu.memory_space<vmem_shared>>
      tpu.wait_dma2 semaphore(%run_scoped3A : memref<!tpu.dma_semaphore, #tpu.memory_space<semaphore_mem>>) src(%arg10 : memref<128x32xf32, #tpu.memory_space<vmem>>) dst(%dma_wait3A_138 : memref<128x32xf32, #tpu.memory_space<vmem_shared>>)
      tpu.yield
    }) : () -> ()
    %add3A_38 = arith.constant 512 : i32
    %add3A_39 = arith.addi %multiple_of3A_29, %add3A_38 : i32
    "tpu.region"() ({
      %run_scoped3A = tpu.sem_alloc : memref<!tpu.dma_semaphore, #tpu.memory_space<semaphore_mem>>
      %dma_start3A_131 = arith.constant 0 : i32
      %dma_start3A_132 = arith.constant 0 : i32
      %dma_start3A_133 = tpu.memref_slice %arg10[%dma_start3A_131, %dma_start3A_132] : memref<128x32xf32, #tpu.memory_space<vmem>> -> memref<120x32xf32, #tpu.memory_space<vmem>>
      %dma_start3A_134 = arith.constant 0 : i32
      %dma_start3A_135 = tpu.memref_slice %arg6[%add3A_39, %dma_start3A_134] : memref<10112x32xf32, #tpu.memory_space<vmem_shared>> -> memref<120x32xf32, #tpu.memory_space<vmem_shared>>
      %dma_start3A_136 = arith.constant 0 : i32
      %dma_start3A_137 = tpu.memref_slice %arg6[%add3A_39, %dma_start3A_136] : memref<10112x32xf32, #tpu.memory_space<vmem_shared>> -> memref<120x32xf32, #tpu.memory_space<vmem_shared>>
      %dma_start3A_138 = arith.constant 0 : i32
      %dma_start3A_139 = arith.constant 0 : i32
      %dma_start3A_140 = tpu.memref_slice %arg10[%dma_start3A_138, %dma_start3A_139] : memref<128x32xf32, #tpu.memory_space<vmem>> -> memref<120x32xf32, #tpu.memory_space<vmem>>
      tpu.enqueue_dma source(%dma_start3A_140 : memref<120x32xf32, #tpu.memory_space<vmem>>) target(%dma_start3A_137 : memref<120x32xf32, #tpu.memory_space<vmem_shared>>) target_semaphore(%run_scoped3A : memref<!tpu.dma_semaphore, #tpu.memory_space<semaphore_mem>>)
      %dma_wait3A_141 = arith.constant 0 : i32
      %dma_wait3A_142 = arith.constant 0 : i32
      %dma_wait3A_143 = tpu.memref_slice %arg10[%dma_wait3A_141, %dma_wait3A_142] : memref<128x32xf32, #tpu.memory_space<vmem>> -> memref<120x32xf32, #tpu.memory_space<vmem>>
      %dma_wait3A_144 = arith.constant 0 : i32
      %dma_wait3A_145 = tpu.memref_slice %arg6[%add3A_39, %dma_wait3A_144] : memref<10112x32xf32, #tpu.memory_space<vmem_shared>> -> memref<120x32xf32, #tpu.memory_space<vmem_shared>>
      %dma_wait3A_146 = arith.constant 0 : i32
      %dma_wait3A_147 = tpu.memref_slice %arg6[%add3A_39, %dma_wait3A_146] : memref<10112x32xf32, #tpu.memory_space<vmem_shared>> -> memref<120x32xf32, #tpu.memory_space<vmem_shared>>
      %dma_wait3A_148 = arith.constant 0 : i32
      %dma_wait3A_149 = arith.constant 0 : i32
      %dma_wait3A_150 = tpu.memref_slice %arg10[%dma_wait3A_148, %dma_wait3A_149] : memref<128x32xf32, #tpu.memory_space<vmem>> -> memref<120x32xf32, #tpu.memory_space<vmem>>
      tpu.wait_dma2 semaphore(%run_scoped3A : memref<!tpu.dma_semaphore, #tpu.memory_space<semaphore_mem>>) src(%dma_wait3A_150 : memref<120x32xf32, #tpu.memory_space<vmem>>) dst(%dma_wait3A_147 : memref<120x32xf32, #tpu.memory_space<vmem_shared>>)
      tpu.yield
    }) : () -> ()
    %dma_wait3A = arith.constant 0 : i32
    %dma_wait3A_40 = tpu.memref_slice %arg3[%multiple_of3A, %dma_wait3A] : memref<2592x128xi32, #tpu.memory_space<hbm>> -> memref<81x128xi32, #tpu.memory_space<hbm>>
    %dma_wait3A_41 = arith.constant 0 : i32
    %dma_wait3A_42 = tpu.memref_slice %arg3[%multiple_of3A, %dma_wait3A_41] : memref<2592x128xi32, #tpu.memory_space<hbm>> -> memref<81x128xi32, #tpu.memory_space<hbm>>
    tpu.wait_dma2 semaphore(%arg13 : memref<!tpu.dma_semaphore, #tpu.memory_space<semaphore_mem>>) src(%dma_wait3A_42 : memref<81x128xi32, #tpu.memory_space<hbm>>) dst(%arg8 : memref<81x128xi32, #tpu.memory_space<vmem>>)
    %dma_wait3A_43 = arith.constant 0 : i32
    %dma_wait3A_44 = tpu.memref_slice %arg4[%multiple_of3A, %dma_wait3A_43] : memref<2592x128xi32, #tpu.memory_space<hbm>> -> memref<81x128xi32, #tpu.memory_space<hbm>>
    %dma_wait3A_45 = arith.constant 0 : i32
    %dma_wait3A_46 = tpu.memref_slice %arg4[%multiple_of3A, %dma_wait3A_45] : memref<2592x128xi32, #tpu.memory_space<hbm>> -> memref<81x128xi32, #tpu.memory_space<hbm>>
    tpu.wait_dma2 semaphore(%arg13 : memref<!tpu.dma_semaphore, #tpu.memory_space<semaphore_mem>>) src(%dma_wait3A_46 : memref<81x128xi32, #tpu.memory_space<hbm>>) dst(%arg9 : memref<81x128xi32, #tpu.memory_space<vmem>>)
    %dma_wait3A_47 = arith.constant 0 : i32
    %dma_wait3A_48 = tpu.memref_slice %arg7[%mul3A_17, %dma_wait3A_47] : memref<10000x32xf32, #tpu.memory_space<vmem_shared>> -> memref<625x32xf32, #tpu.memory_space<vmem_shared>>
    %dma_wait3A_49 = arith.constant 0 : i32
    %dma_wait3A_50 = tpu.memref_slice %arg2[%mul3A_15, %dma_wait3A_49] : memref<10000x32xf32, #tpu.memory_space<hbm>> -> memref<625x32xf32, #tpu.memory_space<hbm>>
    tpu.wait_dma2 semaphore(%arg14 : memref<!tpu.dma_semaphore, #tpu.memory_space<semaphore_mem>>) src(%dma_wait3A_50 : memref<625x32xf32, #tpu.memory_space<hbm>>) dst(%dma_wait3A_48 : memref<625x32xf32, #tpu.memory_space<vmem_shared>>)
    %barrier3A = arith.constant 0 : index
    tpu.barrier barrier_id(%barrier3A)
    %jit3A_51 = arith.constant 3 : i32
    %div3A = arith.divsi %select_n3A, %jit3A_51 : i32
    %sign3A = arith.constant 0 : i32
    %sign3A_52 = arith.cmpi sgt, %select_n3A, %sign3A : i32
    %sign3A_53 = arith.extui %sign3A_52 : i1 to i32
    %sign3A_54 = arith.constant 0 : i32
    %sign3A_55 = arith.cmpi slt, %select_n3A, %sign3A_54 : i32
    %sign3A_56 = arith.extui %sign3A_55 : i1 to i32
    %sign3A_57 = arith.subi %sign3A_53, %sign3A_56 : i32
    %sign3A_58 = arith.constant 0 : i32
    %sign3A_59 = arith.cmpi sgt, %jit3A_51, %sign3A_58 : i32
    %sign3A_60 = arith.extui %sign3A_59 : i1 to i32
    %sign3A_61 = arith.constant 0 : i32
    %sign3A_62 = arith.cmpi slt, %jit3A_51, %sign3A_61 : i32
    %sign3A_63 = arith.extui %sign3A_62 : i1 to i32
    %sign3A_64 = arith.subi %sign3A_60, %sign3A_63 : i32
    %ne3A = arith.cmpi ne, %sign3A_57, %sign3A_64 : i32
    %rem3A = arith.remsi %select_n3A, %jit3A_51 : i32
    %ne3A_65 = arith.constant 0 : i32
    %ne3A_66 = arith.cmpi ne, %rem3A, %ne3A_65 : i32
    %and3A = arith.andi %ne3A, %ne3A_66 : i1
    %sub3A = arith.constant 1 : i32
    %sub3A_67 = arith.subi %div3A, %sub3A : i32
    %select_n3A_68 = arith.select %and3A, %sub3A_67, %div3A : i32
    %while3A = arith.constant 0 : i32
    %while3A_69 = arith.constant 0 : i32
    %while3A_70 = arith.subi %select_n3A_68, %while3A_69 : i32
    %while3A_71 = arith.addi %while3A_69, %while3A_70 : i32
    %while3A_72 = arith.constant 1 : i32
    %while3A_73 = arith.divsi %while3A_70, %while3A_72 : i32
    %while3A_74 = arith.muli %while3A_73, %while3A_72 : i32
    %while3A_75 = arith.addi %while3A_69, %while3A_74 : i32
    %while3A_76 = arith.constant 1 : i32
    scf.for %while3A_131 = %while3A_69 to %while3A_75 step %while3A_76  : i32 {
      %mul3A_132 = arith.constant 3 : i32
      %mul3A_133 = arith.muli %while3A_131, %mul3A_132 : i32
      %add3A_134 = arith.constant 0 : i32
      %add3A_135 = arith.addi %mul3A_133, %add3A_134 : i32
      %gt3A = arith.constant 0 : i32
      %gt3A_136 = arith.cmpi sgt, %while3A_131, %gt3A : i32
      %convert_element_type3A = arith.extui %gt3A_136 : i1 to i32
      %cond3A = arith.constant 0 : i32
      %cond3A_137 = arith.cmpi ne, %convert_element_type3A, %cond3A : i32
      scf.if %cond3A_137 {
        %dma_wait3A_199 = arith.constant 0 : i32
        %dma_wait3A_200 = arith.constant 0 : i32
        %dma_wait3A_201 = tpu.memref_slice %arg6[%dma_wait3A_199, %dma_wait3A_200] : memref<10112x32xf32, #tpu.memory_space<vmem_shared>> -> memref<128x32xf32, #tpu.memory_space<vmem_shared>>
        %dma_wait3A_202 = arith.constant 0 : i32
        %dma_wait3A_203 = arith.constant 0 : i32
        %dma_wait3A_204 = tpu.memref_slice %arg6[%dma_wait3A_202, %dma_wait3A_203] : memref<10112x32xf32, #tpu.memory_space<vmem_shared>> -> memref<128x32xf32, #tpu.memory_space<vmem_shared>>
        tpu.wait_dma2 semaphore(%arg18 : memref<!tpu.dma_semaphore, #tpu.memory_space<semaphore_mem>>) src(%arg10 : memref<128x32xf32, #tpu.memory_space<vmem>>) dst(%dma_wait3A_204 : memref<128x32xf32, #tpu.memory_space<vmem_shared>>)
      } else {
      }
      %dma_start3A_138 = arith.constant 0 : i32
      %dma_start3A_139 = tpu.memref_slice %arg8[%add3A_135, %dma_start3A_138] : memref<81x128xi32, #tpu.memory_space<vmem>> -> memref<1x128xi32, #tpu.memory_space<vmem>>
      %dma_start3A_140 = tpu.memref_squeeze %dma_start3A_139 : memref<1x128xi32, #tpu.memory_space<vmem>> -> memref<128xi32, #tpu.memory_space<vmem>>
      %dma_start3A_141 = arith.constant 0 : i32
      %dma_start3A_142 = arith.constant 0 : i32
      %dma_start3A_143 = tpu.memref_slice %arg7[%dma_start3A_141, %dma_start3A_142] : memref<10000x32xf32, #tpu.memory_space<vmem_shared>> -> memref<10000x32xf32, #tpu.memory_space<vmem_shared>>
      tpu.enqueue_indirect_dma source(%dma_start3A_143 : memref<10000x32xf32, #tpu.memory_space<vmem_shared>>) target(%arg10 : memref<128x32xf32, #tpu.memory_space<vmem>>) offsets(%dma_start3A_140 : memref<128xi32, #tpu.memory_space<vmem>>) semaphore(%arg15 : memref<!tpu.dma_semaphore, #tpu.memory_space<semaphore_mem>>)
      %gt3A_144 = arith.constant 0 : i32
      %gt3A_145 = arith.cmpi sgt, %while3A_131, %gt3A_144 : i32
      %convert_element_type3A_146 = arith.extui %gt3A_145 : i1 to i32
      %cond3A_147 = arith.constant 0 : i32
      %cond3A_148 = arith.cmpi ne, %convert_element_type3A_146, %cond3A_147 : i32
      scf.if %cond3A_148 {
        %dma_wait3A_199 = arith.constant 0 : i32
        %dma_wait3A_200 = arith.constant 0 : i32
        %dma_wait3A_201 = tpu.memref_slice %arg8[%dma_wait3A_199, %dma_wait3A_200] : memref<81x128xi32, #tpu.memory_space<vmem>> -> memref<1x128xi32, #tpu.memory_space<vmem>>
        %dma_wait3A_202 = tpu.memref_squeeze %dma_wait3A_201 : memref<1x128xi32, #tpu.memory_space<vmem>> -> memref<128xi32, #tpu.memory_space<vmem>>
        %dma_wait3A_203 = arith.constant 0 : i32
        %dma_wait3A_204 = arith.constant 0 : i32
        %dma_wait3A_205 = tpu.memref_slice %arg7[%dma_wait3A_203, %dma_wait3A_204] : memref<10000x32xf32, #tpu.memory_space<vmem_shared>> -> memref<10000x32xf32, #tpu.memory_space<vmem_shared>>
        tpu.wait_indirect_dma semaphore(%arg16 : memref<!tpu.dma_semaphore, #tpu.memory_space<semaphore_mem>>) src(%dma_wait3A_205 : memref<10000x32xf32, #tpu.memory_space<vmem_shared>>) dst(%arg11 : memref<128x32xf32, #tpu.memory_space<vmem>>)
        %sub3A_206 = arith.constant 2 : i32
        %sub3A_207 = arith.subi %add3A_135, %sub3A_206 : i32
        %dma_start3A_208 = arith.constant 0 : i32
        %dma_start3A_209 = tpu.memref_slice %arg9[%sub3A_207, %dma_start3A_208] : memref<81x128xi32, #tpu.memory_space<vmem>> -> memref<1x128xi32, #tpu.memory_space<vmem>>
        %dma_start3A_210 = tpu.memref_squeeze %dma_start3A_209 : memref<1x128xi32, #tpu.memory_space<vmem>> -> memref<128xi32, #tpu.memory_space<vmem>>
        %dma_start3A_211 = arith.constant 0 : i32
        %dma_start3A_212 = arith.constant 0 : i32
        %dma_start3A_213 = tpu.memref_slice %arg6[%dma_start3A_211, %dma_start3A_212] : memref<10112x32xf32, #tpu.memory_space<vmem_shared>> -> memref<10112x32xf32, #tpu.memory_space<vmem_shared>>
        tpu.enqueue_indirect_dma source(%arg11 : memref<128x32xf32, #tpu.memory_space<vmem>>) target(%dma_start3A_213 : memref<10112x32xf32, #tpu.memory_space<vmem_shared>>) offsets(%dma_start3A_210 : memref<128xi32, #tpu.memory_space<vmem>>) semaphore(%arg19 : memref<!tpu.dma_semaphore, #tpu.memory_space<semaphore_mem>>) {add = true}
      } else {
      }
      %mul3A_149 = arith.constant 3 : i32
      %mul3A_150 = arith.muli %while3A_131, %mul3A_149 : i32
      %add3A_151 = arith.constant 1 : i32
      %add3A_152 = arith.addi %mul3A_150, %add3A_151 : i32
      %gt3A_153 = arith.constant 0 : i32
      %gt3A_154 = arith.cmpi sgt, %while3A_131, %gt3A_153 : i32
      %convert_element_type3A_155 = arith.extui %gt3A_154 : i1 to i32
      %cond3A_156 = arith.constant 0 : i32
      %cond3A_157 = arith.cmpi ne, %convert_element_type3A_155, %cond3A_156 : i32
      scf.if %cond3A_157 {
        %dma_wait3A_199 = arith.constant 0 : i32
        %dma_wait3A_200 = arith.constant 0 : i32
        %dma_wait3A_201 = tpu.memref_slice %arg6[%dma_wait3A_199, %dma_wait3A_200] : memref<10112x32xf32, #tpu.memory_space<vmem_shared>> -> memref<128x32xf32, #tpu.memory_space<vmem_shared>>
        %dma_wait3A_202 = arith.constant 0 : i32
        %dma_wait3A_203 = arith.constant 0 : i32
        %dma_wait3A_204 = tpu.memref_slice %arg6[%dma_wait3A_202, %dma_wait3A_203] : memref<10112x32xf32, #tpu.memory_space<vmem_shared>> -> memref<128x32xf32, #tpu.memory_space<vmem_shared>>
        tpu.wait_dma2 semaphore(%arg19 : memref<!tpu.dma_semaphore, #tpu.memory_space<semaphore_mem>>) src(%arg11 : memref<128x32xf32, #tpu.memory_space<vmem>>) dst(%dma_wait3A_204 : memref<128x32xf32, #tpu.memory_space<vmem_shared>>)
      } else {
      }
      %dma_start3A_158 = arith.constant 0 : i32
      %dma_start3A_159 = tpu.memref_slice %arg8[%add3A_152, %dma_start3A_158] : memref<81x128xi32, #tpu.memory_space<vmem>> -> memref<1x128xi32, #tpu.memory_space<vmem>>
      %dma_start3A_160 = tpu.memref_squeeze %dma_start3A_159 : memref<1x128xi32, #tpu.memory_space<vmem>> -> memref<128xi32, #tpu.memory_space<vmem>>
      %dma_start3A_161 = arith.constant 0 : i32
      %dma_start3A_162 = arith.constant 0 : i32
      %dma_start3A_163 = tpu.memref_slice %arg7[%dma_start3A_161, %dma_start3A_162] : memref<10000x32xf32, #tpu.memory_space<vmem_shared>> -> memref<10000x32xf32, #tpu.memory_space<vmem_shared>>
      tpu.enqueue_indirect_dma source(%dma_start3A_163 : memref<10000x32xf32, #tpu.memory_space<vmem_shared>>) target(%arg11 : memref<128x32xf32, #tpu.memory_space<vmem>>) offsets(%dma_start3A_160 : memref<128xi32, #tpu.memory_space<vmem>>) semaphore(%arg16 : memref<!tpu.dma_semaphore, #tpu.memory_space<semaphore_mem>>)
      %gt3A_164 = arith.constant 0 : i32
      %gt3A_165 = arith.cmpi sgt, %while3A_131, %gt3A_164 : i32
      %convert_element_type3A_166 = arith.extui %gt3A_165 : i1 to i32
      %cond3A_167 = arith.constant 0 : i32
      %cond3A_168 = arith.cmpi ne, %convert_element_type3A_166, %cond3A_167 : i32
      scf.if %cond3A_168 {
        %dma_wait3A_199 = arith.constant 0 : i32
        %dma_wait3A_200 = arith.constant 0 : i32
        %dma_wait3A_201 = tpu.memref_slice %arg8[%dma_wait3A_199, %dma_wait3A_200] : memref<81x128xi32, #tpu.memory_space<vmem>> -> memref<1x128xi32, #tpu.memory_space<vmem>>
        %dma_wait3A_202 = tpu.memref_squeeze %dma_wait3A_201 : memref<1x128xi32, #tpu.memory_space<vmem>> -> memref<128xi32, #tpu.memory_space<vmem>>
        %dma_wait3A_203 = arith.constant 0 : i32
        %dma_wait3A_204 = arith.constant 0 : i32
        %dma_wait3A_205 = tpu.memref_slice %arg7[%dma_wait3A_203, %dma_wait3A_204] : memref<10000x32xf32, #tpu.memory_space<vmem_shared>> -> memref<10000x32xf32, #tpu.memory_space<vmem_shared>>
        tpu.wait_indirect_dma semaphore(%arg17 : memref<!tpu.dma_semaphore, #tpu.memory_space<semaphore_mem>>) src(%dma_wait3A_205 : memref<10000x32xf32, #tpu.memory_space<vmem_shared>>) dst(%arg12 : memref<128x32xf32, #tpu.memory_space<vmem>>)
        %sub3A_206 = arith.constant 2 : i32
        %sub3A_207 = arith.subi %add3A_152, %sub3A_206 : i32
        %dma_start3A_208 = arith.constant 0 : i32
        %dma_start3A_209 = tpu.memref_slice %arg9[%sub3A_207, %dma_start3A_208] : memref<81x128xi32, #tpu.memory_space<vmem>> -> memref<1x128xi32, #tpu.memory_space<vmem>>
        %dma_start3A_210 = tpu.memref_squeeze %dma_start3A_209 : memref<1x128xi32, #tpu.memory_space<vmem>> -> memref<128xi32, #tpu.memory_space<vmem>>
        %dma_start3A_211 = arith.constant 0 : i32
        %dma_start3A_212 = arith.constant 0 : i32
        %dma_start3A_213 = tpu.memref_slice %arg6[%dma_start3A_211, %dma_start3A_212] : memref<10112x32xf32, #tpu.memory_space<vmem_shared>> -> memref<10112x32xf32, #tpu.memory_space<vmem_shared>>
        tpu.enqueue_indirect_dma source(%arg12 : memref<128x32xf32, #tpu.memory_space<vmem>>) target(%dma_start3A_213 : memref<10112x32xf32, #tpu.memory_space<vmem_shared>>) offsets(%dma_start3A_210 : memref<128xi32, #tpu.memory_space<vmem>>) semaphore(%arg20 : memref<!tpu.dma_semaphore, #tpu.memory_space<semaphore_mem>>) {add = true}
      } else {
      }
      %mul3A_169 = arith.constant 3 : i32
      %mul3A_170 = arith.muli %while3A_131, %mul3A_169 : i32
      %add3A_171 = arith.constant 2 : i32
      %add3A_172 = arith.addi %mul3A_170, %add3A_171 : i32
      %gt3A_173 = arith.constant 0 : i32
      %gt3A_174 = arith.cmpi sgt, %while3A_131, %gt3A_173 : i32
      %convert_element_type3A_175 = arith.extui %gt3A_174 : i1 to i32
      %cond3A_176 = arith.constant 0 : i32
      %cond3A_177 = arith.cmpi ne, %convert_element_type3A_175, %cond3A_176 : i32
      scf.if %cond3A_177 {
        %dma_wait3A_199 = arith.constant 0 : i32
        %dma_wait3A_200 = arith.constant 0 : i32
        %dma_wait3A_201 = tpu.memref_slice %arg6[%dma_wait3A_199, %dma_wait3A_200] : memref<10112x32xf32, #tpu.memory_space<vmem_shared>> -> memref<128x32xf32, #tpu.memory_space<vmem_shared>>
        %dma_wait3A_202 = arith.constant 0 : i32
        %dma_wait3A_203 = arith.constant 0 : i32
        %dma_wait3A_204 = tpu.memref_slice %arg6[%dma_wait3A_202, %dma_wait3A_203] : memref<10112x32xf32, #tpu.memory_space<vmem_shared>> -> memref<128x32xf32, #tpu.memory_space<vmem_shared>>
        tpu.wait_dma2 semaphore(%arg20 : memref<!tpu.dma_semaphore, #tpu.memory_space<semaphore_mem>>) src(%arg12 : memref<128x32xf32, #tpu.memory_space<vmem>>) dst(%dma_wait3A_204 : memref<128x32xf32, #tpu.memory_space<vmem_shared>>)
      } else {
      }
      %dma_start3A_178 = arith.constant 0 : i32
      %dma_start3A_179 = tpu.memref_slice %arg8[%add3A_172, %dma_start3A_178] : memref<81x128xi32, #tpu.memory_space<vmem>> -> memref<1x128xi32, #tpu.memory_space<vmem>>
      %dma_start3A_180 = tpu.memref_squeeze %dma_start3A_179 : memref<1x128xi32, #tpu.memory_space<vmem>> -> memref<128xi32, #tpu.memory_space<vmem>>
      %dma_start3A_181 = arith.constant 0 : i32
      %dma_start3A_182 = arith.constant 0 : i32
      %dma_start3A_183 = tpu.memref_slice %arg7[%dma_start3A_181, %dma_start3A_182] : memref<10000x32xf32, #tpu.memory_space<vmem_shared>> -> memref<10000x32xf32, #tpu.memory_space<vmem_shared>>
      tpu.enqueue_indirect_dma source(%dma_start3A_183 : memref<10000x32xf32, #tpu.memory_space<vmem_shared>>) target(%arg12 : memref<128x32xf32, #tpu.memory_space<vmem>>) offsets(%dma_start3A_180 : memref<128xi32, #tpu.memory_space<vmem>>) semaphore(%arg17 : memref<!tpu.dma_semaphore, #tpu.memory_space<semaphore_mem>>)
      %dma_wait3A_184 = arith.constant 0 : i32
      %dma_wait3A_185 = arith.constant 0 : i32
      %dma_wait3A_186 = tpu.memref_slice %arg8[%dma_wait3A_184, %dma_wait3A_185] : memref<81x128xi32, #tpu.memory_space<vmem>> -> memref<1x128xi32, #tpu.memory_space<vmem>>
      %dma_wait3A_187 = tpu.memref_squeeze %dma_wait3A_186 : memref<1x128xi32, #tpu.memory_space<vmem>> -> memref<128xi32, #tpu.memory_space<vmem>>
      %dma_wait3A_188 = arith.constant 0 : i32
      %dma_wait3A_189 = arith.constant 0 : i32
      %dma_wait3A_190 = tpu.memref_slice %arg7[%dma_wait3A_188, %dma_wait3A_189] : memref<10000x32xf32, #tpu.memory_space<vmem_shared>> -> memref<10000x32xf32, #tpu.memory_space<vmem_shared>>
      tpu.wait_indirect_dma semaphore(%arg15 : memref<!tpu.dma_semaphore, #tpu.memory_space<semaphore_mem>>) src(%dma_wait3A_190 : memref<10000x32xf32, #tpu.memory_space<vmem_shared>>) dst(%arg10 : memref<128x32xf32, #tpu.memory_space<vmem>>)
      %sub3A_191 = arith.constant 2 : i32
      %sub3A_192 = arith.subi %add3A_172, %sub3A_191 : i32
      %dma_start3A_193 = arith.constant 0 : i32
      %dma_start3A_194 = tpu.memref_slice %arg9[%sub3A_192, %dma_start3A_193] : memref<81x128xi32, #tpu.memory_space<vmem>> -> memref<1x128xi32, #tpu.memory_space<vmem>>
      %dma_start3A_195 = tpu.memref_squeeze %dma_start3A_194 : memref<1x128xi32, #tpu.memory_space<vmem>> -> memref<128xi32, #tpu.memory_space<vmem>>
      %dma_start3A_196 = arith.constant 0 : i32
      %dma_start3A_197 = arith.constant 0 : i32
      %dma_start3A_198 = tpu.memref_slice %arg6[%dma_start3A_196, %dma_start3A_197] : memref<10112x32xf32, #tpu.memory_space<vmem_shared>> -> memref<10112x32xf32, #tpu.memory_space<vmem_shared>>
      tpu.enqueue_indirect_dma source(%arg10 : memref<128x32xf32, #tpu.memory_space<vmem>>) target(%dma_start3A_198 : memref<10112x32xf32, #tpu.memory_space<vmem_shared>>) offsets(%dma_start3A_195 : memref<128xi32, #tpu.memory_space<vmem>>) semaphore(%arg18 : memref<!tpu.dma_semaphore, #tpu.memory_space<semaphore_mem>>) {add = true}
    }
    %while3A_77 = arith.constant 1 : i32
    scf.for %while3A_131 = %while3A_75 to %while3A_71 step %while3A_77  : i32 {
      %mul3A_132 = arith.constant 3 : i32
      %mul3A_133 = arith.muli %while3A_131, %mul3A_132 : i32
      %add3A_134 = arith.constant 0 : i32
      %add3A_135 = arith.addi %mul3A_133, %add3A_134 : i32
      %gt3A = arith.constant 0 : i32
      %gt3A_136 = arith.cmpi sgt, %while3A_131, %gt3A : i32
      %convert_element_type3A = arith.extui %gt3A_136 : i1 to i32
      %cond3A = arith.constant 0 : i32
      %cond3A_137 = arith.cmpi ne, %convert_element_type3A, %cond3A : i32
      scf.if %cond3A_137 {
        %dma_wait3A_199 = arith.constant 0 : i32
        %dma_wait3A_200 = arith.constant 0 : i32
        %dma_wait3A_201 = tpu.memref_slice %arg6[%dma_wait3A_199, %dma_wait3A_200] : memref<10112x32xf32, #tpu.memory_space<vmem_shared>> -> memref<128x32xf32, #tpu.memory_space<vmem_shared>>
        %dma_wait3A_202 = arith.constant 0 : i32
        %dma_wait3A_203 = arith.constant 0 : i32
        %dma_wait3A_204 = tpu.memref_slice %arg6[%dma_wait3A_202, %dma_wait3A_203] : memref<10112x32xf32, #tpu.memory_space<vmem_shared>> -> memref<128x32xf32, #tpu.memory_space<vmem_shared>>
        tpu.wait_dma2 semaphore(%arg18 : memref<!tpu.dma_semaphore, #tpu.memory_space<semaphore_mem>>) src(%arg10 : memref<128x32xf32, #tpu.memory_space<vmem>>) dst(%dma_wait3A_204 : memref<128x32xf32, #tpu.memory_space<vmem_shared>>)
      } else {
      }
      %dma_start3A_138 = arith.constant 0 : i32
      %dma_start3A_139 = tpu.memref_slice %arg8[%add3A_135, %dma_start3A_138] : memref<81x128xi32, #tpu.memory_space<vmem>> -> memref<1x128xi32, #tpu.memory_space<vmem>>
      %dma_start3A_140 = tpu.memref_squeeze %dma_start3A_139 : memref<1x128xi32, #tpu.memory_space<vmem>> -> memref<128xi32, #tpu.memory_space<vmem>>
      %dma_start3A_141 = arith.constant 0 : i32
      %dma_start3A_142 = arith.constant 0 : i32
      %dma_start3A_143 = tpu.memref_slice %arg7[%dma_start3A_141, %dma_start3A_142] : memref<10000x32xf32, #tpu.memory_space<vmem_shared>> -> memref<10000x32xf32, #tpu.memory_space<vmem_shared>>
      tpu.enqueue_indirect_dma source(%dma_start3A_143 : memref<10000x32xf32, #tpu.memory_space<vmem_shared>>) target(%arg10 : memref<128x32xf32, #tpu.memory_space<vmem>>) offsets(%dma_start3A_140 : memref<128xi32, #tpu.memory_space<vmem>>) semaphore(%arg15 : memref<!tpu.dma_semaphore, #tpu.memory_space<semaphore_mem>>)
      %gt3A_144 = arith.constant 0 : i32
      %gt3A_145 = arith.cmpi sgt, %while3A_131, %gt3A_144 : i32
      %convert_element_type3A_146 = arith.extui %gt3A_145 : i1 to i32
      %cond3A_147 = arith.constant 0 : i32
      %cond3A_148 = arith.cmpi ne, %convert_element_type3A_146, %cond3A_147 : i32
      scf.if %cond3A_148 {
        %dma_wait3A_199 = arith.constant 0 : i32
        %dma_wait3A_200 = arith.constant 0 : i32
        %dma_wait3A_201 = tpu.memref_slice %arg8[%dma_wait3A_199, %dma_wait3A_200] : memref<81x128xi32, #tpu.memory_space<vmem>> -> memref<1x128xi32, #tpu.memory_space<vmem>>
        %dma_wait3A_202 = tpu.memref_squeeze %dma_wait3A_201 : memref<1x128xi32, #tpu.memory_space<vmem>> -> memref<128xi32, #tpu.memory_space<vmem>>
        %dma_wait3A_203 = arith.constant 0 : i32
        %dma_wait3A_204 = arith.constant 0 : i32
        %dma_wait3A_205 = tpu.memref_slice %arg7[%dma_wait3A_203, %dma_wait3A_204] : memref<10000x32xf32, #tpu.memory_space<vmem_shared>> -> memref<10000x32xf32, #tpu.memory_space<vmem_shared>>
        tpu.wait_indirect_dma semaphore(%arg16 : memref<!tpu.dma_semaphore, #tpu.memory_space<semaphore_mem>>) src(%dma_wait3A_205 : memref<10000x32xf32, #tpu.memory_space<vmem_shared>>) dst(%arg11 : memref<128x32xf32, #tpu.memory_space<vmem>>)
        %sub3A_206 = arith.constant 2 : i32
        %sub3A_207 = arith.subi %add3A_135, %sub3A_206 : i32
        %dma_start3A_208 = arith.constant 0 : i32
        %dma_start3A_209 = tpu.memref_slice %arg9[%sub3A_207, %dma_start3A_208] : memref<81x128xi32, #tpu.memory_space<vmem>> -> memref<1x128xi32, #tpu.memory_space<vmem>>
        %dma_start3A_210 = tpu.memref_squeeze %dma_start3A_209 : memref<1x128xi32, #tpu.memory_space<vmem>> -> memref<128xi32, #tpu.memory_space<vmem>>
        %dma_start3A_211 = arith.constant 0 : i32
        %dma_start3A_212 = arith.constant 0 : i32
        %dma_start3A_213 = tpu.memref_slice %arg6[%dma_start3A_211, %dma_start3A_212] : memref<10112x32xf32, #tpu.memory_space<vmem_shared>> -> memref<10112x32xf32, #tpu.memory_space<vmem_shared>>
        tpu.enqueue_indirect_dma source(%arg11 : memref<128x32xf32, #tpu.memory_space<vmem>>) target(%dma_start3A_213 : memref<10112x32xf32, #tpu.memory_space<vmem_shared>>) offsets(%dma_start3A_210 : memref<128xi32, #tpu.memory_space<vmem>>) semaphore(%arg19 : memref<!tpu.dma_semaphore, #tpu.memory_space<semaphore_mem>>) {add = true}
      } else {
      }
      %mul3A_149 = arith.constant 3 : i32
      %mul3A_150 = arith.muli %while3A_131, %mul3A_149 : i32
      %add3A_151 = arith.constant 1 : i32
      %add3A_152 = arith.addi %mul3A_150, %add3A_151 : i32
      %gt3A_153 = arith.constant 0 : i32
      %gt3A_154 = arith.cmpi sgt, %while3A_131, %gt3A_153 : i32
      %convert_element_type3A_155 = arith.extui %gt3A_154 : i1 to i32
      %cond3A_156 = arith.constant 0 : i32
      %cond3A_157 = arith.cmpi ne, %convert_element_type3A_155, %cond3A_156 : i32
      scf.if %cond3A_157 {
        %dma_wait3A_199 = arith.constant 0 : i32
        %dma_wait3A_200 = arith.constant 0 : i32
        %dma_wait3A_201 = tpu.memref_slice %arg6[%dma_wait3A_199, %dma_wait3A_200] : memref<10112x32xf32, #tpu.memory_space<vmem_shared>> -> memref<128x32xf32, #tpu.memory_space<vmem_shared>>
        %dma_wait3A_202 = arith.constant 0 : i32
        %dma_wait3A_203 = arith.constant 0 : i32
        %dma_wait3A_204 = tpu.memref_slice %arg6[%dma_wait3A_202, %dma_wait3A_203] : memref<10112x32xf32, #tpu.memory_space<vmem_shared>> -> memref<128x32xf32, #tpu.memory_space<vmem_shared>>
        tpu.wait_dma2 semaphore(%arg19 : memref<!tpu.dma_semaphore, #tpu.memory_space<semaphore_mem>>) src(%arg11 : memref<128x32xf32, #tpu.memory_space<vmem>>) dst(%dma_wait3A_204 : memref<128x32xf32, #tpu.memory_space<vmem_shared>>)
      } else {
      }
      %dma_start3A_158 = arith.constant 0 : i32
      %dma_start3A_159 = tpu.memref_slice %arg8[%add3A_152, %dma_start3A_158] : memref<81x128xi32, #tpu.memory_space<vmem>> -> memref<1x128xi32, #tpu.memory_space<vmem>>
      %dma_start3A_160 = tpu.memref_squeeze %dma_start3A_159 : memref<1x128xi32, #tpu.memory_space<vmem>> -> memref<128xi32, #tpu.memory_space<vmem>>
      %dma_start3A_161 = arith.constant 0 : i32
      %dma_start3A_162 = arith.constant 0 : i32
      %dma_start3A_163 = tpu.memref_slice %arg7[%dma_start3A_161, %dma_start3A_162] : memref<10000x32xf32, #tpu.memory_space<vmem_shared>> -> memref<10000x32xf32, #tpu.memory_space<vmem_shared>>
      tpu.enqueue_indirect_dma source(%dma_start3A_163 : memref<10000x32xf32, #tpu.memory_space<vmem_shared>>) target(%arg11 : memref<128x32xf32, #tpu.memory_space<vmem>>) offsets(%dma_start3A_160 : memref<128xi32, #tpu.memory_space<vmem>>) semaphore(%arg16 : memref<!tpu.dma_semaphore, #tpu.memory_space<semaphore_mem>>)
      %gt3A_164 = arith.constant 0 : i32
      %gt3A_165 = arith.cmpi sgt, %while3A_131, %gt3A_164 : i32
      %convert_element_type3A_166 = arith.extui %gt3A_165 : i1 to i32
      %cond3A_167 = arith.constant 0 : i32
      %cond3A_168 = arith.cmpi ne, %convert_element_type3A_166, %cond3A_167 : i32
      scf.if %cond3A_168 {
        %dma_wait3A_199 = arith.constant 0 : i32
        %dma_wait3A_200 = arith.constant 0 : i32
        %dma_wait3A_201 = tpu.memref_slice %arg8[%dma_wait3A_199, %dma_wait3A_200] : memref<81x128xi32, #tpu.memory_space<vmem>> -> memref<1x128xi32, #tpu.memory_space<vmem>>
        %dma_wait3A_202 = tpu.memref_squeeze %dma_wait3A_201 : memref<1x128xi32, #tpu.memory_space<vmem>> -> memref<128xi32, #tpu.memory_space<vmem>>
        %dma_wait3A_203 = arith.constant 0 : i32
        %dma_wait3A_204 = arith.constant 0 : i32
        %dma_wait3A_205 = tpu.memref_slice %arg7[%dma_wait3A_203, %dma_wait3A_204] : memref<10000x32xf32, #tpu.memory_space<vmem_shared>> -> memref<10000x32xf32, #tpu.memory_space<vmem_shared>>
        tpu.wait_indirect_dma semaphore(%arg17 : memref<!tpu.dma_semaphore, #tpu.memory_space<semaphore_mem>>) src(%dma_wait3A_205 : memref<10000x32xf32, #tpu.memory_space<vmem_shared>>) dst(%arg12 : memref<128x32xf32, #tpu.memory_space<vmem>>)
        %sub3A_206 = arith.constant 2 : i32
        %sub3A_207 = arith.subi %add3A_152, %sub3A_206 : i32
        %dma_start3A_208 = arith.constant 0 : i32
        %dma_start3A_209 = tpu.memref_slice %arg9[%sub3A_207, %dma_start3A_208] : memref<81x128xi32, #tpu.memory_space<vmem>> -> memref<1x128xi32, #tpu.memory_space<vmem>>
        %dma_start3A_210 = tpu.memref_squeeze %dma_start3A_209 : memref<1x128xi32, #tpu.memory_space<vmem>> -> memref<128xi32, #tpu.memory_space<vmem>>
        %dma_start3A_211 = arith.constant 0 : i32
        %dma_start3A_212 = arith.constant 0 : i32
        %dma_start3A_213 = tpu.memref_slice %arg6[%dma_start3A_211, %dma_start3A_212] : memref<10112x32xf32, #tpu.memory_space<vmem_shared>> -> memref<10112x32xf32, #tpu.memory_space<vmem_shared>>
        tpu.enqueue_indirect_dma source(%arg12 : memref<128x32xf32, #tpu.memory_space<vmem>>) target(%dma_start3A_213 : memref<10112x32xf32, #tpu.memory_space<vmem_shared>>) offsets(%dma_start3A_210 : memref<128xi32, #tpu.memory_space<vmem>>) semaphore(%arg20 : memref<!tpu.dma_semaphore, #tpu.memory_space<semaphore_mem>>) {add = true}
      } else {
      }
      %mul3A_169 = arith.constant 3 : i32
      %mul3A_170 = arith.muli %while3A_131, %mul3A_169 : i32
      %add3A_171 = arith.constant 2 : i32
      %add3A_172 = arith.addi %mul3A_170, %add3A_171 : i32
      %gt3A_173 = arith.constant 0 : i32
      %gt3A_174 = arith.cmpi sgt, %while3A_131, %gt3A_173 : i32
      %convert_element_type3A_175 = arith.extui %gt3A_174 : i1 to i32
      %cond3A_176 = arith.constant 0 : i32
      %cond3A_177 = arith.cmpi ne, %convert_element_type3A_175, %cond3A_176 : i32
      scf.if %cond3A_177 {
        %dma_wait3A_199 = arith.constant 0 : i32
        %dma_wait3A_200 = arith.constant 0 : i32
        %dma_wait3A_201 = tpu.memref_slice %arg6[%dma_wait3A_199, %dma_wait3A_200] : memref<10112x32xf32, #tpu.memory_space<vmem_shared>> -> memref<128x32xf32, #tpu.memory_space<vmem_shared>>
        %dma_wait3A_202 = arith.constant 0 : i32
        %dma_wait3A_203 = arith.constant 0 : i32
        %dma_wait3A_204 = tpu.memref_slice %arg6[%dma_wait3A_202, %dma_wait3A_203] : memref<10112x32xf32, #tpu.memory_space<vmem_shared>> -> memref<128x32xf32, #tpu.memory_space<vmem_shared>>
        tpu.wait_dma2 semaphore(%arg20 : memref<!tpu.dma_semaphore, #tpu.memory_space<semaphore_mem>>) src(%arg12 : memref<128x32xf32, #tpu.memory_space<vmem>>) dst(%dma_wait3A_204 : memref<128x32xf32, #tpu.memory_space<vmem_shared>>)
      } else {
      }
      %dma_start3A_178 = arith.constant 0 : i32
      %dma_start3A_179 = tpu.memref_slice %arg8[%add3A_172, %dma_start3A_178] : memref<81x128xi32, #tpu.memory_space<vmem>> -> memref<1x128xi32, #tpu.memory_space<vmem>>
      %dma_start3A_180 = tpu.memref_squeeze %dma_start3A_179 : memref<1x128xi32, #tpu.memory_space<vmem>> -> memref<128xi32, #tpu.memory_space<vmem>>
      %dma_start3A_181 = arith.constant 0 : i32
      %dma_start3A_182 = arith.constant 0 : i32
      %dma_start3A_183 = tpu.memref_slice %arg7[%dma_start3A_181, %dma_start3A_182] : memref<10000x32xf32, #tpu.memory_space<vmem_shared>> -> memref<10000x32xf32, #tpu.memory_space<vmem_shared>>
      tpu.enqueue_indirect_dma source(%dma_start3A_183 : memref<10000x32xf32, #tpu.memory_space<vmem_shared>>) target(%arg12 : memref<128x32xf32, #tpu.memory_space<vmem>>) offsets(%dma_start3A_180 : memref<128xi32, #tpu.memory_space<vmem>>) semaphore(%arg17 : memref<!tpu.dma_semaphore, #tpu.memory_space<semaphore_mem>>)
      %dma_wait3A_184 = arith.constant 0 : i32
      %dma_wait3A_185 = arith.constant 0 : i32
      %dma_wait3A_186 = tpu.memref_slice %arg8[%dma_wait3A_184, %dma_wait3A_185] : memref<81x128xi32, #tpu.memory_space<vmem>> -> memref<1x128xi32, #tpu.memory_space<vmem>>
      %dma_wait3A_187 = tpu.memref_squeeze %dma_wait3A_186 : memref<1x128xi32, #tpu.memory_space<vmem>> -> memref<128xi32, #tpu.memory_space<vmem>>
      %dma_wait3A_188 = arith.constant 0 : i32
      %dma_wait3A_189 = arith.constant 0 : i32
      %dma_wait3A_190 = tpu.memref_slice %arg7[%dma_wait3A_188, %dma_wait3A_189] : memref<10000x32xf32, #tpu.memory_space<vmem_shared>> -> memref<10000x32xf32, #tpu.memory_space<vmem_shared>>
      tpu.wait_indirect_dma semaphore(%arg15 : memref<!tpu.dma_semaphore, #tpu.memory_space<semaphore_mem>>) src(%dma_wait3A_190 : memref<10000x32xf32, #tpu.memory_space<vmem_shared>>) dst(%arg10 : memref<128x32xf32, #tpu.memory_space<vmem>>)
      %sub3A_191 = arith.constant 2 : i32
      %sub3A_192 = arith.subi %add3A_172, %sub3A_191 : i32
      %dma_start3A_193 = arith.constant 0 : i32
      %dma_start3A_194 = tpu.memref_slice %arg9[%sub3A_192, %dma_start3A_193] : memref<81x128xi32, #tpu.memory_space<vmem>> -> memref<1x128xi32, #tpu.memory_space<vmem>>
      %dma_start3A_195 = tpu.memref_squeeze %dma_start3A_194 : memref<1x128xi32, #tpu.memory_space<vmem>> -> memref<128xi32, #tpu.memory_space<vmem>>
      %dma_start3A_196 = arith.constant 0 : i32
      %dma_start3A_197 = arith.constant 0 : i32
      %dma_start3A_198 = tpu.memref_slice %arg6[%dma_start3A_196, %dma_start3A_197] : memref<10112x32xf32, #tpu.memory_space<vmem_shared>> -> memref<10112x32xf32, #tpu.memory_space<vmem_shared>>
      tpu.enqueue_indirect_dma source(%arg10 : memref<128x32xf32, #tpu.memory_space<vmem>>) target(%dma_start3A_198 : memref<10112x32xf32, #tpu.memory_space<vmem_shared>>) offsets(%dma_start3A_195 : memref<128xi32, #tpu.memory_space<vmem>>) semaphore(%arg18 : memref<!tpu.dma_semaphore, #tpu.memory_space<semaphore_mem>>) {add = true}
    }
    %dma_wait3A_78 = arith.constant 0 : i32
    %dma_wait3A_79 = arith.constant 0 : i32
    %dma_wait3A_80 = tpu.memref_slice %arg8[%dma_wait3A_78, %dma_wait3A_79] : memref<81x128xi32, #tpu.memory_space<vmem>> -> memref<1x128xi32, #tpu.memory_space<vmem>>
    %dma_wait3A_81 = tpu.memref_squeeze %dma_wait3A_80 : memref<1x128xi32, #tpu.memory_space<vmem>> -> memref<128xi32, #tpu.memory_space<vmem>>
    %dma_wait3A_82 = arith.constant 0 : i32
    %dma_wait3A_83 = arith.constant 0 : i32
    %dma_wait3A_84 = tpu.memref_slice %arg7[%dma_wait3A_82, %dma_wait3A_83] : memref<10000x32xf32, #tpu.memory_space<vmem_shared>> -> memref<10000x32xf32, #tpu.memory_space<vmem_shared>>
    tpu.wait_indirect_dma semaphore(%arg16 : memref<!tpu.dma_semaphore, #tpu.memory_space<semaphore_mem>>) src(%dma_wait3A_84 : memref<10000x32xf32, #tpu.memory_space<vmem_shared>>) dst(%arg11 : memref<128x32xf32, #tpu.memory_space<vmem>>)
    %sub3A_85 = arith.constant 2 : i32
    %sub3A_86 = arith.subi %select_n3A, %sub3A_85 : i32
    %add3A_87 = arith.constant 0 : i32
    %add3A_88 = arith.addi %sub3A_86, %add3A_87 : i32
    %dma_start3A_89 = arith.constant 0 : i32
    %dma_start3A_90 = tpu.memref_slice %arg9[%add3A_88, %dma_start3A_89] : memref<81x128xi32, #tpu.memory_space<vmem>> -> memref<1x128xi32, #tpu.memory_space<vmem>>
    %dma_start3A_91 = tpu.memref_squeeze %dma_start3A_90 : memref<1x128xi32, #tpu.memory_space<vmem>> -> memref<128xi32, #tpu.memory_space<vmem>>
    %dma_start3A_92 = arith.constant 0 : i32
    %dma_start3A_93 = arith.constant 0 : i32
    %dma_start3A_94 = tpu.memref_slice %arg6[%dma_start3A_92, %dma_start3A_93] : memref<10112x32xf32, #tpu.memory_space<vmem_shared>> -> memref<10112x32xf32, #tpu.memory_space<vmem_shared>>
    tpu.enqueue_indirect_dma source(%arg11 : memref<128x32xf32, #tpu.memory_space<vmem>>) target(%dma_start3A_94 : memref<10112x32xf32, #tpu.memory_space<vmem_shared>>) offsets(%dma_start3A_91 : memref<128xi32, #tpu.memory_space<vmem>>) semaphore(%arg19 : memref<!tpu.dma_semaphore, #tpu.memory_space<semaphore_mem>>) {add = true}
    %dma_wait3A_95 = arith.constant 0 : i32
    %dma_wait3A_96 = arith.constant 0 : i32
    %dma_wait3A_97 = tpu.memref_slice %arg8[%dma_wait3A_95, %dma_wait3A_96] : memref<81x128xi32, #tpu.memory_space<vmem>> -> memref<1x128xi32, #tpu.memory_space<vmem>>
    %dma_wait3A_98 = tpu.memref_squeeze %dma_wait3A_97 : memref<1x128xi32, #tpu.memory_space<vmem>> -> memref<128xi32, #tpu.memory_space<vmem>>
    %dma_wait3A_99 = arith.constant 0 : i32
    %dma_wait3A_100 = arith.constant 0 : i32
    %dma_wait3A_101 = tpu.memref_slice %arg7[%dma_wait3A_99, %dma_wait3A_100] : memref<10000x32xf32, #tpu.memory_space<vmem_shared>> -> memref<10000x32xf32, #tpu.memory_space<vmem_shared>>
    tpu.wait_indirect_dma semaphore(%arg17 : memref<!tpu.dma_semaphore, #tpu.memory_space<semaphore_mem>>) src(%dma_wait3A_101 : memref<10000x32xf32, #tpu.memory_space<vmem_shared>>) dst(%arg12 : memref<128x32xf32, #tpu.memory_space<vmem>>)
    %sub3A_102 = arith.constant 2 : i32
    %sub3A_103 = arith.subi %select_n3A, %sub3A_102 : i32
    %add3A_104 = arith.constant 1 : i32
    %add3A_105 = arith.addi %sub3A_103, %add3A_104 : i32
    %dma_start3A_106 = arith.constant 0 : i32
    %dma_start3A_107 = tpu.memref_slice %arg9[%add3A_105, %dma_start3A_106] : memref<81x128xi32, #tpu.memory_space<vmem>> -> memref<1x128xi32, #tpu.memory_space<vmem>>
    %dma_start3A_108 = tpu.memref_squeeze %dma_start3A_107 : memref<1x128xi32, #tpu.memory_space<vmem>> -> memref<128xi32, #tpu.memory_space<vmem>>
    %dma_start3A_109 = arith.constant 0 : i32
    %dma_start3A_110 = arith.constant 0 : i32
    %dma_start3A_111 = tpu.memref_slice %arg6[%dma_start3A_109, %dma_start3A_110] : memref<10112x32xf32, #tpu.memory_space<vmem_shared>> -> memref<10112x32xf32, #tpu.memory_space<vmem_shared>>
    tpu.enqueue_indirect_dma source(%arg12 : memref<128x32xf32, #tpu.memory_space<vmem>>) target(%dma_start3A_111 : memref<10112x32xf32, #tpu.memory_space<vmem_shared>>) offsets(%dma_start3A_108 : memref<128xi32, #tpu.memory_space<vmem>>) semaphore(%arg20 : memref<!tpu.dma_semaphore, #tpu.memory_space<semaphore_mem>>) {add = true}
    %dma_wait3A_112 = arith.constant 0 : i32
    %dma_wait3A_113 = arith.constant 0 : i32
    %dma_wait3A_114 = tpu.memref_slice %arg6[%dma_wait3A_112, %dma_wait3A_113] : memref<10112x32xf32, #tpu.memory_space<vmem_shared>> -> memref<128x32xf32, #tpu.memory_space<vmem_shared>>
    %dma_wait3A_115 = arith.constant 0 : i32
    %dma_wait3A_116 = arith.constant 0 : i32
    %dma_wait3A_117 = tpu.memref_slice %arg6[%dma_wait3A_115, %dma_wait3A_116] : memref<10112x32xf32, #tpu.memory_space<vmem_shared>> -> memref<128x32xf32, #tpu.memory_space<vmem_shared>>
    tpu.wait_dma2 semaphore(%arg18 : memref<!tpu.dma_semaphore, #tpu.memory_space<semaphore_mem>>) src(%arg10 : memref<128x32xf32, #tpu.memory_space<vmem>>) dst(%dma_wait3A_117 : memref<128x32xf32, #tpu.memory_space<vmem_shared>>)
    %dma_wait3A_118 = arith.constant 0 : i32
    %dma_wait3A_119 = arith.constant 0 : i32
    %dma_wait3A_120 = tpu.memref_slice %arg6[%dma_wait3A_118, %dma_wait3A_119] : memref<10112x32xf32, #tpu.memory_space<vmem_shared>> -> memref<128x32xf32, #tpu.memory_space<vmem_shared>>
    %dma_wait3A_121 = arith.constant 0 : i32
    %dma_wait3A_122 = arith.constant 0 : i32
    %dma_wait3A_123 = tpu.memref_slice %arg6[%dma_wait3A_121, %dma_wait3A_122] : memref<10112x32xf32, #tpu.memory_space<vmem_shared>> -> memref<128x32xf32, #tpu.memory_space<vmem_shared>>
    tpu.wait_dma2 semaphore(%arg19 : memref<!tpu.dma_semaphore, #tpu.memory_space<semaphore_mem>>) src(%arg11 : memref<128x32xf32, #tpu.memory_space<vmem>>) dst(%dma_wait3A_123 : memref<128x32xf32, #tpu.memory_space<vmem_shared>>)
    %dma_wait3A_124 = arith.constant 0 : i32
    %dma_wait3A_125 = arith.constant 0 : i32
    %dma_wait3A_126 = tpu.memref_slice %arg6[%dma_wait3A_124, %dma_wait3A_125] : memref<10112x32xf32, #tpu.memory_space<vmem_shared>> -> memref<128x32xf32, #tpu.memory_space<vmem_shared>>
    %dma_wait3A_127 = arith.constant 0 : i32
    %dma_wait3A_128 = arith.constant 0 : i32
    %dma_wait3A_129 = tpu.memref_slice %arg6[%dma_wait3A_127, %dma_wait3A_128] : memref<10112x32xf32, #tpu.memory_space<vmem_shared>> -> memref<128x32xf32, #tpu.memory_space<vmem_shared>>
    tpu.wait_dma2 semaphore(%arg20 : memref<!tpu.dma_semaphore, #tpu.memory_space<semaphore_mem>>) src(%arg12 : memref<128x32xf32, #tpu.memory_space<vmem>>) dst(%dma_wait3A_129 : memref<128x32xf32, #tpu.memory_space<vmem_shared>>)
    %barrier3A_130 = arith.constant 0 : index
    tpu.barrier barrier_id(%barrier3A_130)
    "tpu.region"() ({
      %run_scoped3A = tpu.sem_alloc : memref<!tpu.dma_semaphore, #tpu.memory_space<semaphore_mem>>
      %dma_start3A_131 = arith.constant 0 : i32
      %dma_start3A_132 = arith.constant 0 : i32
      %dma_start3A_133 = tpu.memref_slice %arg5[%arg0, %arg1, %dma_start3A_131, %dma_start3A_132] : memref<2x16x632x32xf32, #tpu.memory_space<hbm>> -> memref<1x1x632x32xf32, #tpu.memory_space<hbm>>
      %dma_start3A_134 = tpu.memref_squeeze %dma_start3A_133 : memref<1x1x632x32xf32, #tpu.memory_space<hbm>> -> memref<632x32xf32, #tpu.memory_space<hbm>>
      %dma_start3A_135 = arith.constant 0 : i32
      %dma_start3A_136 = tpu.memref_slice %arg6[%multiple_of3A_29, %dma_start3A_135] : memref<10112x32xf32, #tpu.memory_space<vmem_shared>> -> memref<632x32xf32, #tpu.memory_space<vmem_shared>>
      tpu.enqueue_dma source(%dma_start3A_136 : memref<632x32xf32, #tpu.memory_space<vmem_shared>>) target(%dma_start3A_134 : memref<632x32xf32, #tpu.memory_space<hbm>>) target_semaphore(%run_scoped3A : memref<!tpu.dma_semaphore, #tpu.memory_space<semaphore_mem>>)
      %dma_wait3A_137 = arith.constant 0 : i32
      %dma_wait3A_138 = arith.constant 0 : i32
      %dma_wait3A_139 = tpu.memref_slice %arg5[%arg0, %arg1, %dma_wait3A_137, %dma_wait3A_138] : memref<2x16x632x32xf32, #tpu.memory_space<hbm>> -> memref<1x1x632x32xf32, #tpu.memory_space<hbm>>
      %dma_wait3A_140 = tpu.memref_squeeze %dma_wait3A_139 : memref<1x1x632x32xf32, #tpu.memory_space<hbm>> -> memref<632x32xf32, #tpu.memory_space<hbm>>
      %dma_wait3A_141 = arith.constant 0 : i32
      %dma_wait3A_142 = tpu.memref_slice %arg6[%multiple_of3A_29, %dma_wait3A_141] : memref<10112x32xf32, #tpu.memory_space<vmem_shared>> -> memref<632x32xf32, #tpu.memory_space<vmem_shared>>
      tpu.wait_dma2 semaphore(%run_scoped3A : memref<!tpu.dma_semaphore, #tpu.memory_space<semaphore_mem>>) src(%dma_wait3A_142 : memref<632x32xf32, #tpu.memory_space<vmem_shared>>) dst(%dma_wait3A_140 : memref<632x32xf32, #tpu.memory_space<hbm>>)
      tpu.yield
    }) : () -> ()
    return
  }
}

#map = affine_map<(d0, d1) -> (0, 0)>
#map1 = affine_map<(d0, d1) -> (0, 0, 0, 0)>
module attributes {stable_mosaic.version = 14 : i64} {
  func.func @_agg_body(%arg0: i32, %arg1: i32, %arg2: memref<10000x64xf32, #tpu.memory_space<hbm>>, %arg3: memref<2592x128xi32, #tpu.memory_space<hbm>>, %arg4: memref<2592x128xi32, #tpu.memory_space<hbm>>, %arg5: memref<2x16x632x64xf32, #tpu.memory_space<hbm>>, %arg6: memref<10112x64xf32, #tpu.memory_space<vmem_shared>>, %arg7: memref<10000x64xf32, #tpu.memory_space<vmem_shared>>, %arg8: memref<81x128xi32, #tpu.memory_space<vmem>>, %arg9: memref<81x128xi32, #tpu.memory_space<vmem>>, %arg10: memref<128x64xf32, #tpu.memory_space<vmem>>, %arg11: memref<128x64xf32, #tpu.memory_space<vmem>>, %arg12: memref<128x64xf32, #tpu.memory_space<vmem>>, %arg13: memref<!tpu.dma_semaphore, #tpu.memory_space<semaphore_mem>>, %arg14: memref<!tpu.dma_semaphore, #tpu.memory_space<semaphore_mem>>, %arg15: memref<!tpu.dma_semaphore, #tpu.memory_space<semaphore_mem>>, %arg16: memref<!tpu.dma_semaphore, #tpu.memory_space<semaphore_mem>>, %arg17: memref<!tpu.dma_semaphore, #tpu.memory_space<semaphore_mem>>, %arg18: memref<!tpu.dma_semaphore, #tpu.memory_space<semaphore_mem>>, %arg19: memref<!tpu.dma_semaphore, #tpu.memory_space<semaphore_mem>>, %arg20: memref<!tpu.dma_semaphore, #tpu.memory_space<semaphore_mem>>) attributes {dimension_semantics = [#tpu.dimension_semantics<core_parallel>, #tpu.dimension_semantics<subcore_parallel>], iteration_bounds = array<i64: 2, 16>, scalar_prefetch = 0 : i64, scratch_operands = 15 : i64, tpu.core_type = #tpu.core_type<sc_vector_subcore>, window_params = [{transform_indices = #map}, {transform_indices = #map}, {transform_indices = #map}, {transform_indices = #map1}]} {
    %eq3A = arith.constant 0 : i32
    %eq3A_0 = arith.cmpi eq, %arg0, %eq3A : i32
    %jit3A = arith.constant 81 : i32
    %jit3A_1 = arith.constant 81 : i32
    %select_n3A = arith.select %eq3A_0, %jit3A, %jit3A_1 : i32
    %mul3A = arith.constant 81 : i32
    %mul3A_2 = arith.muli %arg1, %mul3A : i32
    %mul3A_3 = arith.constant 81 : i32
    %mul3A_4 = arith.muli %arg1, %mul3A_3 : i32
    %add3A = arith.constant 1296 : i32
    %add3A_5 = arith.addi %add3A, %mul3A_4 : i32
    %select_n3A_6 = arith.select %eq3A_0, %mul3A_2, %add3A_5 : i32
    %multiple_of3A = tpu.assume_multiple %select_n3A_6, 3 : i32
    %dma_start3A = arith.constant 0 : i32
    %dma_start3A_7 = tpu.memref_slice %arg3[%multiple_of3A, %dma_start3A] : memref<2592x128xi32, #tpu.memory_space<hbm>> -> memref<81x128xi32, #tpu.memory_space<hbm>>
    %dma_start3A_8 = arith.constant 0 : i32
    %dma_start3A_9 = tpu.memref_slice %arg3[%multiple_of3A, %dma_start3A_8] : memref<2592x128xi32, #tpu.memory_space<hbm>> -> memref<81x128xi32, #tpu.memory_space<hbm>>
    tpu.enqueue_dma source(%dma_start3A_9 : memref<81x128xi32, #tpu.memory_space<hbm>>) target(%arg8 : memref<81x128xi32, #tpu.memory_space<vmem>>) target_semaphore(%arg13 : memref<!tpu.dma_semaphore, #tpu.memory_space<semaphore_mem>>)
    %dma_start3A_10 = arith.constant 0 : i32
    %dma_start3A_11 = tpu.memref_slice %arg4[%multiple_of3A, %dma_start3A_10] : memref<2592x128xi32, #tpu.memory_space<hbm>> -> memref<81x128xi32, #tpu.memory_space<hbm>>
    %dma_start3A_12 = arith.constant 0 : i32
    %dma_start3A_13 = tpu.memref_slice %arg4[%multiple_of3A, %dma_start3A_12] : memref<2592x128xi32, #tpu.memory_space<hbm>> -> memref<81x128xi32, #tpu.memory_space<hbm>>
    tpu.enqueue_dma source(%dma_start3A_13 : memref<81x128xi32, #tpu.memory_space<hbm>>) target(%arg9 : memref<81x128xi32, #tpu.memory_space<vmem>>) target_semaphore(%arg13 : memref<!tpu.dma_semaphore, #tpu.memory_space<semaphore_mem>>)
    %mul3A_14 = arith.constant 625 : i32
    %mul3A_15 = arith.muli %arg1, %mul3A_14 : i32
    %mul3A_16 = arith.constant 625 : i32
    %mul3A_17 = arith.muli %arg1, %mul3A_16 : i32
    %dma_start3A_18 = arith.constant 0 : i32
    %dma_start3A_19 = tpu.memref_slice %arg7[%mul3A_17, %dma_start3A_18] : memref<10000x64xf32, #tpu.memory_space<vmem_shared>> -> memref<625x64xf32, #tpu.memory_space<vmem_shared>>
    %dma_start3A_20 = arith.constant 0 : i32
    %dma_start3A_21 = tpu.memref_slice %arg2[%mul3A_15, %dma_start3A_20] : memref<10000x64xf32, #tpu.memory_space<hbm>> -> memref<625x64xf32, #tpu.memory_space<hbm>>
    tpu.enqueue_dma source(%dma_start3A_21 : memref<625x64xf32, #tpu.memory_space<hbm>>) target(%dma_start3A_19 : memref<625x64xf32, #tpu.memory_space<vmem_shared>>) target_semaphore(%arg14 : memref<!tpu.dma_semaphore, #tpu.memory_space<semaphore_mem>>)
    %scan3A = arith.constant 0 : i32
    %scan3A_22 = arith.constant 0 : i32
    %scan3A_23 = arith.constant 128 : i32
    %scan3A_24 = arith.addi %scan3A_22, %scan3A_23 : i32
    %scan3A_25 = arith.constant 1 : i32
    scf.for %scan3A_131 = %scan3A_22 to %scan3A_24 step %scan3A_25  : i32 {
      %broadcast_in_dim3A = arith.constant 0.000000e+00 : f32
      %broadcast_in_dim3A_132 = vector.broadcast %broadcast_in_dim3A : f32 to vector<16xf32>
      %swap3A = arith.index_cast %scan3A_131 : i32 to index
      %swap3A_133 = arith.constant 0 : index
      %swap3A_134 = tpu.vector_load %arg10[%swap3A, %swap3A_133] {strides = array<i32>} : memref<128x64xf32, #tpu.memory_space<vmem>>, vector<16xf32>,
      tpu.vector_store %arg10[%swap3A, %swap3A_133], %broadcast_in_dim3A_132 {strides = array<i32>} : memref<128x64xf32, #tpu.memory_space<vmem>>, vector<16xf32>,
      %broadcast_in_dim3A_135 = arith.constant 0.000000e+00 : f32
      %broadcast_in_dim3A_136 = vector.broadcast %broadcast_in_dim3A_135 : f32 to vector<16xf32>
      %swap3A_137 = arith.index_cast %scan3A_131 : i32 to index
      %swap3A_138 = arith.constant 16 : index
      %swap3A_139 = tpu.vector_load %arg10[%swap3A_137, %swap3A_138] {strides = array<i32>} : memref<128x64xf32, #tpu.memory_space<vmem>>, vector<16xf32>,
      tpu.vector_store %arg10[%swap3A_137, %swap3A_138], %broadcast_in_dim3A_136 {strides = array<i32>} : memref<128x64xf32, #tpu.memory_space<vmem>>, vector<16xf32>,
      %broadcast_in_dim3A_140 = arith.constant 0.000000e+00 : f32
      %broadcast_in_dim3A_141 = vector.broadcast %broadcast_in_dim3A_140 : f32 to vector<16xf32>
      %swap3A_142 = arith.index_cast %scan3A_131 : i32 to index
      %swap3A_143 = arith.constant 32 : index
      %swap3A_144 = tpu.vector_load %arg10[%swap3A_142, %swap3A_143] {strides = array<i32>} : memref<128x64xf32, #tpu.memory_space<vmem>>, vector<16xf32>,
      tpu.vector_store %arg10[%swap3A_142, %swap3A_143], %broadcast_in_dim3A_141 {strides = array<i32>} : memref<128x64xf32, #tpu.memory_space<vmem>>, vector<16xf32>,
      %broadcast_in_dim3A_145 = arith.constant 0.000000e+00 : f32
      %broadcast_in_dim3A_146 = vector.broadcast %broadcast_in_dim3A_145 : f32 to vector<16xf32>
      %swap3A_147 = arith.index_cast %scan3A_131 : i32 to index
      %swap3A_148 = arith.constant 48 : index
      %swap3A_149 = tpu.vector_load %arg10[%swap3A_147, %swap3A_148] {strides = array<i32>} : memref<128x64xf32, #tpu.memory_space<vmem>>, vector<16xf32>,
      tpu.vector_store %arg10[%swap3A_147, %swap3A_148], %broadcast_in_dim3A_146 {strides = array<i32>} : memref<128x64xf32, #tpu.memory_space<vmem>>, vector<16xf32>,
    }
    %scan3A_26 = arith.constant 128 : i32
    %mul3A_27 = arith.constant 632 : i32
    %mul3A_28 = arith.muli %arg1, %mul3A_27 : i32
    %multiple_of3A_29 = tpu.assume_multiple %mul3A_28, 8 : i32
    %add3A_30 = arith.constant 0 : i32
    %add3A_31 = arith.addi %multiple_of3A_29, %add3A_30 : i32
    "tpu.region"() ({
      %run_scoped3A = tpu.sem_alloc : memref<!tpu.dma_semaphore, #tpu.memory_space<semaphore_mem>>
      %dma_start3A_131 = arith.constant 0 : i32
      %dma_start3A_132 = tpu.memref_slice %arg6[%add3A_31, %dma_start3A_131] : memref<10112x64xf32, #tpu.memory_space<vmem_shared>> -> memref<128x64xf32, #tpu.memory_space<vmem_shared>>
      %dma_start3A_133 = arith.constant 0 : i32
      %dma_start3A_134 = tpu.memref_slice %arg6[%add3A_31, %dma_start3A_133] : memref<10112x64xf32, #tpu.memory_space<vmem_shared>> -> memref<128x64xf32, #tpu.memory_space<vmem_shared>>
      tpu.enqueue_dma source(%arg10 : memref<128x64xf32, #tpu.memory_space<vmem>>) target(%dma_start3A_134 : memref<128x64xf32, #tpu.memory_space<vmem_shared>>) target_semaphore(%run_scoped3A : memref<!tpu.dma_semaphore, #tpu.memory_space<semaphore_mem>>)
      %dma_wait3A_135 = arith.constant 0 : i32
      %dma_wait3A_136 = tpu.memref_slice %arg6[%add3A_31, %dma_wait3A_135] : memref<10112x64xf32, #tpu.memory_space<vmem_shared>> -> memref<128x64xf32, #tpu.memory_space<vmem_shared>>
      %dma_wait3A_137 = arith.constant 0 : i32
      %dma_wait3A_138 = tpu.memref_slice %arg6[%add3A_31, %dma_wait3A_137] : memref<10112x64xf32, #tpu.memory_space<vmem_shared>> -> memref<128x64xf32, #tpu.memory_space<vmem_shared>>
      tpu.wait_dma2 semaphore(%run_scoped3A : memref<!tpu.dma_semaphore, #tpu.memory_space<semaphore_mem>>) src(%arg10 : memref<128x64xf32, #tpu.memory_space<vmem>>) dst(%dma_wait3A_138 : memref<128x64xf32, #tpu.memory_space<vmem_shared>>)
      tpu.yield
    }) : () -> ()
    %add3A_32 = arith.constant 128 : i32
    %add3A_33 = arith.addi %multiple_of3A_29, %add3A_32 : i32
    "tpu.region"() ({
      %run_scoped3A = tpu.sem_alloc : memref<!tpu.dma_semaphore, #tpu.memory_space<semaphore_mem>>
      %dma_start3A_131 = arith.constant 0 : i32
      %dma_start3A_132 = tpu.memref_slice %arg6[%add3A_33, %dma_start3A_131] : memref<10112x64xf32, #tpu.memory_space<vmem_shared>> -> memref<128x64xf32, #tpu.memory_space<vmem_shared>>
      %dma_start3A_133 = arith.constant 0 : i32
      %dma_start3A_134 = tpu.memref_slice %arg6[%add3A_33, %dma_start3A_133] : memref<10112x64xf32, #tpu.memory_space<vmem_shared>> -> memref<128x64xf32, #tpu.memory_space<vmem_shared>>
      tpu.enqueue_dma source(%arg10 : memref<128x64xf32, #tpu.memory_space<vmem>>) target(%dma_start3A_134 : memref<128x64xf32, #tpu.memory_space<vmem_shared>>) target_semaphore(%run_scoped3A : memref<!tpu.dma_semaphore, #tpu.memory_space<semaphore_mem>>)
      %dma_wait3A_135 = arith.constant 0 : i32
      %dma_wait3A_136 = tpu.memref_slice %arg6[%add3A_33, %dma_wait3A_135] : memref<10112x64xf32, #tpu.memory_space<vmem_shared>> -> memref<128x64xf32, #tpu.memory_space<vmem_shared>>
      %dma_wait3A_137 = arith.constant 0 : i32
      %dma_wait3A_138 = tpu.memref_slice %arg6[%add3A_33, %dma_wait3A_137] : memref<10112x64xf32, #tpu.memory_space<vmem_shared>> -> memref<128x64xf32, #tpu.memory_space<vmem_shared>>
      tpu.wait_dma2 semaphore(%run_scoped3A : memref<!tpu.dma_semaphore, #tpu.memory_space<semaphore_mem>>) src(%arg10 : memref<128x64xf32, #tpu.memory_space<vmem>>) dst(%dma_wait3A_138 : memref<128x64xf32, #tpu.memory_space<vmem_shared>>)
      tpu.yield
    }) : () -> ()
    %add3A_34 = arith.constant 256 : i32
    %add3A_35 = arith.addi %multiple_of3A_29, %add3A_34 : i32
    "tpu.region"() ({
      %run_scoped3A = tpu.sem_alloc : memref<!tpu.dma_semaphore, #tpu.memory_space<semaphore_mem>>
      %dma_start3A_131 = arith.constant 0 : i32
      %dma_start3A_132 = tpu.memref_slice %arg6[%add3A_35, %dma_start3A_131] : memref<10112x64xf32, #tpu.memory_space<vmem_shared>> -> memref<128x64xf32, #tpu.memory_space<vmem_shared>>
      %dma_start3A_133 = arith.constant 0 : i32
      %dma_start3A_134 = tpu.memref_slice %arg6[%add3A_35, %dma_start3A_133] : memref<10112x64xf32, #tpu.memory_space<vmem_shared>> -> memref<128x64xf32, #tpu.memory_space<vmem_shared>>
      tpu.enqueue_dma source(%arg10 : memref<128x64xf32, #tpu.memory_space<vmem>>) target(%dma_start3A_134 : memref<128x64xf32, #tpu.memory_space<vmem_shared>>) target_semaphore(%run_scoped3A : memref<!tpu.dma_semaphore, #tpu.memory_space<semaphore_mem>>)
      %dma_wait3A_135 = arith.constant 0 : i32
      %dma_wait3A_136 = tpu.memref_slice %arg6[%add3A_35, %dma_wait3A_135] : memref<10112x64xf32, #tpu.memory_space<vmem_shared>> -> memref<128x64xf32, #tpu.memory_space<vmem_shared>>
      %dma_wait3A_137 = arith.constant 0 : i32
      %dma_wait3A_138 = tpu.memref_slice %arg6[%add3A_35, %dma_wait3A_137] : memref<10112x64xf32, #tpu.memory_space<vmem_shared>> -> memref<128x64xf32, #tpu.memory_space<vmem_shared>>
      tpu.wait_dma2 semaphore(%run_scoped3A : memref<!tpu.dma_semaphore, #tpu.memory_space<semaphore_mem>>) src(%arg10 : memref<128x64xf32, #tpu.memory_space<vmem>>) dst(%dma_wait3A_138 : memref<128x64xf32, #tpu.memory_space<vmem_shared>>)
      tpu.yield
    }) : () -> ()
    %add3A_36 = arith.constant 384 : i32
    %add3A_37 = arith.addi %multiple_of3A_29, %add3A_36 : i32
    "tpu.region"() ({
      %run_scoped3A = tpu.sem_alloc : memref<!tpu.dma_semaphore, #tpu.memory_space<semaphore_mem>>
      %dma_start3A_131 = arith.constant 0 : i32
      %dma_start3A_132 = tpu.memref_slice %arg6[%add3A_37, %dma_start3A_131] : memref<10112x64xf32, #tpu.memory_space<vmem_shared>> -> memref<128x64xf32, #tpu.memory_space<vmem_shared>>
      %dma_start3A_133 = arith.constant 0 : i32
      %dma_start3A_134 = tpu.memref_slice %arg6[%add3A_37, %dma_start3A_133] : memref<10112x64xf32, #tpu.memory_space<vmem_shared>> -> memref<128x64xf32, #tpu.memory_space<vmem_shared>>
      tpu.enqueue_dma source(%arg10 : memref<128x64xf32, #tpu.memory_space<vmem>>) target(%dma_start3A_134 : memref<128x64xf32, #tpu.memory_space<vmem_shared>>) target_semaphore(%run_scoped3A : memref<!tpu.dma_semaphore, #tpu.memory_space<semaphore_mem>>)
      %dma_wait3A_135 = arith.constant 0 : i32
      %dma_wait3A_136 = tpu.memref_slice %arg6[%add3A_37, %dma_wait3A_135] : memref<10112x64xf32, #tpu.memory_space<vmem_shared>> -> memref<128x64xf32, #tpu.memory_space<vmem_shared>>
      %dma_wait3A_137 = arith.constant 0 : i32
      %dma_wait3A_138 = tpu.memref_slice %arg6[%add3A_37, %dma_wait3A_137] : memref<10112x64xf32, #tpu.memory_space<vmem_shared>> -> memref<128x64xf32, #tpu.memory_space<vmem_shared>>
      tpu.wait_dma2 semaphore(%run_scoped3A : memref<!tpu.dma_semaphore, #tpu.memory_space<semaphore_mem>>) src(%arg10 : memref<128x64xf32, #tpu.memory_space<vmem>>) dst(%dma_wait3A_138 : memref<128x64xf32, #tpu.memory_space<vmem_shared>>)
      tpu.yield
    }) : () -> ()
    %add3A_38 = arith.constant 512 : i32
    %add3A_39 = arith.addi %multiple_of3A_29, %add3A_38 : i32
    "tpu.region"() ({
      %run_scoped3A = tpu.sem_alloc : memref<!tpu.dma_semaphore, #tpu.memory_space<semaphore_mem>>
      %dma_start3A_131 = arith.constant 0 : i32
      %dma_start3A_132 = arith.constant 0 : i32
      %dma_start3A_133 = tpu.memref_slice %arg10[%dma_start3A_131, %dma_start3A_132] : memref<128x64xf32, #tpu.memory_space<vmem>> -> memref<120x64xf32, #tpu.memory_space<vmem>>
      %dma_start3A_134 = arith.constant 0 : i32
      %dma_start3A_135 = tpu.memref_slice %arg6[%add3A_39, %dma_start3A_134] : memref<10112x64xf32, #tpu.memory_space<vmem_shared>> -> memref<120x64xf32, #tpu.memory_space<vmem_shared>>
      %dma_start3A_136 = arith.constant 0 : i32
      %dma_start3A_137 = tpu.memref_slice %arg6[%add3A_39, %dma_start3A_136] : memref<10112x64xf32, #tpu.memory_space<vmem_shared>> -> memref<120x64xf32, #tpu.memory_space<vmem_shared>>
      %dma_start3A_138 = arith.constant 0 : i32
      %dma_start3A_139 = arith.constant 0 : i32
      %dma_start3A_140 = tpu.memref_slice %arg10[%dma_start3A_138, %dma_start3A_139] : memref<128x64xf32, #tpu.memory_space<vmem>> -> memref<120x64xf32, #tpu.memory_space<vmem>>
      tpu.enqueue_dma source(%dma_start3A_140 : memref<120x64xf32, #tpu.memory_space<vmem>>) target(%dma_start3A_137 : memref<120x64xf32, #tpu.memory_space<vmem_shared>>) target_semaphore(%run_scoped3A : memref<!tpu.dma_semaphore, #tpu.memory_space<semaphore_mem>>)
      %dma_wait3A_141 = arith.constant 0 : i32
      %dma_wait3A_142 = arith.constant 0 : i32
      %dma_wait3A_143 = tpu.memref_slice %arg10[%dma_wait3A_141, %dma_wait3A_142] : memref<128x64xf32, #tpu.memory_space<vmem>> -> memref<120x64xf32, #tpu.memory_space<vmem>>
      %dma_wait3A_144 = arith.constant 0 : i32
      %dma_wait3A_145 = tpu.memref_slice %arg6[%add3A_39, %dma_wait3A_144] : memref<10112x64xf32, #tpu.memory_space<vmem_shared>> -> memref<120x64xf32, #tpu.memory_space<vmem_shared>>
      %dma_wait3A_146 = arith.constant 0 : i32
      %dma_wait3A_147 = tpu.memref_slice %arg6[%add3A_39, %dma_wait3A_146] : memref<10112x64xf32, #tpu.memory_space<vmem_shared>> -> memref<120x64xf32, #tpu.memory_space<vmem_shared>>
      %dma_wait3A_148 = arith.constant 0 : i32
      %dma_wait3A_149 = arith.constant 0 : i32
      %dma_wait3A_150 = tpu.memref_slice %arg10[%dma_wait3A_148, %dma_wait3A_149] : memref<128x64xf32, #tpu.memory_space<vmem>> -> memref<120x64xf32, #tpu.memory_space<vmem>>
      tpu.wait_dma2 semaphore(%run_scoped3A : memref<!tpu.dma_semaphore, #tpu.memory_space<semaphore_mem>>) src(%dma_wait3A_150 : memref<120x64xf32, #tpu.memory_space<vmem>>) dst(%dma_wait3A_147 : memref<120x64xf32, #tpu.memory_space<vmem_shared>>)
      tpu.yield
    }) : () -> ()
    %dma_wait3A = arith.constant 0 : i32
    %dma_wait3A_40 = tpu.memref_slice %arg3[%multiple_of3A, %dma_wait3A] : memref<2592x128xi32, #tpu.memory_space<hbm>> -> memref<81x128xi32, #tpu.memory_space<hbm>>
    %dma_wait3A_41 = arith.constant 0 : i32
    %dma_wait3A_42 = tpu.memref_slice %arg3[%multiple_of3A, %dma_wait3A_41] : memref<2592x128xi32, #tpu.memory_space<hbm>> -> memref<81x128xi32, #tpu.memory_space<hbm>>
    tpu.wait_dma2 semaphore(%arg13 : memref<!tpu.dma_semaphore, #tpu.memory_space<semaphore_mem>>) src(%dma_wait3A_42 : memref<81x128xi32, #tpu.memory_space<hbm>>) dst(%arg8 : memref<81x128xi32, #tpu.memory_space<vmem>>)
    %dma_wait3A_43 = arith.constant 0 : i32
    %dma_wait3A_44 = tpu.memref_slice %arg4[%multiple_of3A, %dma_wait3A_43] : memref<2592x128xi32, #tpu.memory_space<hbm>> -> memref<81x128xi32, #tpu.memory_space<hbm>>
    %dma_wait3A_45 = arith.constant 0 : i32
    %dma_wait3A_46 = tpu.memref_slice %arg4[%multiple_of3A, %dma_wait3A_45] : memref<2592x128xi32, #tpu.memory_space<hbm>> -> memref<81x128xi32, #tpu.memory_space<hbm>>
    tpu.wait_dma2 semaphore(%arg13 : memref<!tpu.dma_semaphore, #tpu.memory_space<semaphore_mem>>) src(%dma_wait3A_46 : memref<81x128xi32, #tpu.memory_space<hbm>>) dst(%arg9 : memref<81x128xi32, #tpu.memory_space<vmem>>)
    %dma_wait3A_47 = arith.constant 0 : i32
    %dma_wait3A_48 = tpu.memref_slice %arg7[%mul3A_17, %dma_wait3A_47] : memref<10000x64xf32, #tpu.memory_space<vmem_shared>> -> memref<625x64xf32, #tpu.memory_space<vmem_shared>>
    %dma_wait3A_49 = arith.constant 0 : i32
    %dma_wait3A_50 = tpu.memref_slice %arg2[%mul3A_15, %dma_wait3A_49] : memref<10000x64xf32, #tpu.memory_space<hbm>> -> memref<625x64xf32, #tpu.memory_space<hbm>>
    tpu.wait_dma2 semaphore(%arg14 : memref<!tpu.dma_semaphore, #tpu.memory_space<semaphore_mem>>) src(%dma_wait3A_50 : memref<625x64xf32, #tpu.memory_space<hbm>>) dst(%dma_wait3A_48 : memref<625x64xf32, #tpu.memory_space<vmem_shared>>)
    %barrier3A = arith.constant 0 : index
    tpu.barrier barrier_id(%barrier3A)
    %jit3A_51 = arith.constant 3 : i32
    %div3A = arith.divsi %select_n3A, %jit3A_51 : i32
    %sign3A = arith.constant 0 : i32
    %sign3A_52 = arith.cmpi sgt, %select_n3A, %sign3A : i32
    %sign3A_53 = arith.extui %sign3A_52 : i1 to i32
    %sign3A_54 = arith.constant 0 : i32
    %sign3A_55 = arith.cmpi slt, %select_n3A, %sign3A_54 : i32
    %sign3A_56 = arith.extui %sign3A_55 : i1 to i32
    %sign3A_57 = arith.subi %sign3A_53, %sign3A_56 : i32
    %sign3A_58 = arith.constant 0 : i32
    %sign3A_59 = arith.cmpi sgt, %jit3A_51, %sign3A_58 : i32
    %sign3A_60 = arith.extui %sign3A_59 : i1 to i32
    %sign3A_61 = arith.constant 0 : i32
    %sign3A_62 = arith.cmpi slt, %jit3A_51, %sign3A_61 : i32
    %sign3A_63 = arith.extui %sign3A_62 : i1 to i32
    %sign3A_64 = arith.subi %sign3A_60, %sign3A_63 : i32
    %ne3A = arith.cmpi ne, %sign3A_57, %sign3A_64 : i32
    %rem3A = arith.remsi %select_n3A, %jit3A_51 : i32
    %ne3A_65 = arith.constant 0 : i32
    %ne3A_66 = arith.cmpi ne, %rem3A, %ne3A_65 : i32
    %and3A = arith.andi %ne3A, %ne3A_66 : i1
    %sub3A = arith.constant 1 : i32
    %sub3A_67 = arith.subi %div3A, %sub3A : i32
    %select_n3A_68 = arith.select %and3A, %sub3A_67, %div3A : i32
    %while3A = arith.constant 0 : i32
    %while3A_69 = arith.constant 0 : i32
    %while3A_70 = arith.subi %select_n3A_68, %while3A_69 : i32
    %while3A_71 = arith.addi %while3A_69, %while3A_70 : i32
    %while3A_72 = arith.constant 1 : i32
    %while3A_73 = arith.divsi %while3A_70, %while3A_72 : i32
    %while3A_74 = arith.muli %while3A_73, %while3A_72 : i32
    %while3A_75 = arith.addi %while3A_69, %while3A_74 : i32
    %while3A_76 = arith.constant 1 : i32
    scf.for %while3A_131 = %while3A_69 to %while3A_75 step %while3A_76  : i32 {
      %mul3A_132 = arith.constant 3 : i32
      %mul3A_133 = arith.muli %while3A_131, %mul3A_132 : i32
      %add3A_134 = arith.constant 0 : i32
      %add3A_135 = arith.addi %mul3A_133, %add3A_134 : i32
      %gt3A = arith.constant 0 : i32
      %gt3A_136 = arith.cmpi sgt, %while3A_131, %gt3A : i32
      %convert_element_type3A = arith.extui %gt3A_136 : i1 to i32
      %cond3A = arith.constant 0 : i32
      %cond3A_137 = arith.cmpi ne, %convert_element_type3A, %cond3A : i32
      scf.if %cond3A_137 {
        %dma_wait3A_199 = arith.constant 0 : i32
        %dma_wait3A_200 = arith.constant 0 : i32
        %dma_wait3A_201 = tpu.memref_slice %arg6[%dma_wait3A_199, %dma_wait3A_200] : memref<10112x64xf32, #tpu.memory_space<vmem_shared>> -> memref<128x64xf32, #tpu.memory_space<vmem_shared>>
        %dma_wait3A_202 = arith.constant 0 : i32
        %dma_wait3A_203 = arith.constant 0 : i32
        %dma_wait3A_204 = tpu.memref_slice %arg6[%dma_wait3A_202, %dma_wait3A_203] : memref<10112x64xf32, #tpu.memory_space<vmem_shared>> -> memref<128x64xf32, #tpu.memory_space<vmem_shared>>
        tpu.wait_dma2 semaphore(%arg18 : memref<!tpu.dma_semaphore, #tpu.memory_space<semaphore_mem>>) src(%arg10 : memref<128x64xf32, #tpu.memory_space<vmem>>) dst(%dma_wait3A_204 : memref<128x64xf32, #tpu.memory_space<vmem_shared>>)
      } else {
      }
      %dma_start3A_138 = arith.constant 0 : i32
      %dma_start3A_139 = tpu.memref_slice %arg8[%add3A_135, %dma_start3A_138] : memref<81x128xi32, #tpu.memory_space<vmem>> -> memref<1x128xi32, #tpu.memory_space<vmem>>
      %dma_start3A_140 = tpu.memref_squeeze %dma_start3A_139 : memref<1x128xi32, #tpu.memory_space<vmem>> -> memref<128xi32, #tpu.memory_space<vmem>>
      %dma_start3A_141 = arith.constant 0 : i32
      %dma_start3A_142 = arith.constant 0 : i32
      %dma_start3A_143 = tpu.memref_slice %arg7[%dma_start3A_141, %dma_start3A_142] : memref<10000x64xf32, #tpu.memory_space<vmem_shared>> -> memref<10000x64xf32, #tpu.memory_space<vmem_shared>>
      tpu.enqueue_indirect_dma source(%dma_start3A_143 : memref<10000x64xf32, #tpu.memory_space<vmem_shared>>) target(%arg10 : memref<128x64xf32, #tpu.memory_space<vmem>>) offsets(%dma_start3A_140 : memref<128xi32, #tpu.memory_space<vmem>>) semaphore(%arg15 : memref<!tpu.dma_semaphore, #tpu.memory_space<semaphore_mem>>)
      %gt3A_144 = arith.constant 0 : i32
      %gt3A_145 = arith.cmpi sgt, %while3A_131, %gt3A_144 : i32
      %convert_element_type3A_146 = arith.extui %gt3A_145 : i1 to i32
      %cond3A_147 = arith.constant 0 : i32
      %cond3A_148 = arith.cmpi ne, %convert_element_type3A_146, %cond3A_147 : i32
      scf.if %cond3A_148 {
        %dma_wait3A_199 = arith.constant 0 : i32
        %dma_wait3A_200 = arith.constant 0 : i32
        %dma_wait3A_201 = tpu.memref_slice %arg8[%dma_wait3A_199, %dma_wait3A_200] : memref<81x128xi32, #tpu.memory_space<vmem>> -> memref<1x128xi32, #tpu.memory_space<vmem>>
        %dma_wait3A_202 = tpu.memref_squeeze %dma_wait3A_201 : memref<1x128xi32, #tpu.memory_space<vmem>> -> memref<128xi32, #tpu.memory_space<vmem>>
        %dma_wait3A_203 = arith.constant 0 : i32
        %dma_wait3A_204 = arith.constant 0 : i32
        %dma_wait3A_205 = tpu.memref_slice %arg7[%dma_wait3A_203, %dma_wait3A_204] : memref<10000x64xf32, #tpu.memory_space<vmem_shared>> -> memref<10000x64xf32, #tpu.memory_space<vmem_shared>>
        tpu.wait_indirect_dma semaphore(%arg16 : memref<!tpu.dma_semaphore, #tpu.memory_space<semaphore_mem>>) src(%dma_wait3A_205 : memref<10000x64xf32, #tpu.memory_space<vmem_shared>>) dst(%arg11 : memref<128x64xf32, #tpu.memory_space<vmem>>)
        %sub3A_206 = arith.constant 2 : i32
        %sub3A_207 = arith.subi %add3A_135, %sub3A_206 : i32
        %dma_start3A_208 = arith.constant 0 : i32
        %dma_start3A_209 = tpu.memref_slice %arg9[%sub3A_207, %dma_start3A_208] : memref<81x128xi32, #tpu.memory_space<vmem>> -> memref<1x128xi32, #tpu.memory_space<vmem>>
        %dma_start3A_210 = tpu.memref_squeeze %dma_start3A_209 : memref<1x128xi32, #tpu.memory_space<vmem>> -> memref<128xi32, #tpu.memory_space<vmem>>
        %dma_start3A_211 = arith.constant 0 : i32
        %dma_start3A_212 = arith.constant 0 : i32
        %dma_start3A_213 = tpu.memref_slice %arg6[%dma_start3A_211, %dma_start3A_212] : memref<10112x64xf32, #tpu.memory_space<vmem_shared>> -> memref<10112x64xf32, #tpu.memory_space<vmem_shared>>
        tpu.enqueue_indirect_dma source(%arg11 : memref<128x64xf32, #tpu.memory_space<vmem>>) target(%dma_start3A_213 : memref<10112x64xf32, #tpu.memory_space<vmem_shared>>) offsets(%dma_start3A_210 : memref<128xi32, #tpu.memory_space<vmem>>) semaphore(%arg19 : memref<!tpu.dma_semaphore, #tpu.memory_space<semaphore_mem>>) {add = true}
      } else {
      }
      %mul3A_149 = arith.constant 3 : i32
      %mul3A_150 = arith.muli %while3A_131, %mul3A_149 : i32
      %add3A_151 = arith.constant 1 : i32
      %add3A_152 = arith.addi %mul3A_150, %add3A_151 : i32
      %gt3A_153 = arith.constant 0 : i32
      %gt3A_154 = arith.cmpi sgt, %while3A_131, %gt3A_153 : i32
      %convert_element_type3A_155 = arith.extui %gt3A_154 : i1 to i32
      %cond3A_156 = arith.constant 0 : i32
      %cond3A_157 = arith.cmpi ne, %convert_element_type3A_155, %cond3A_156 : i32
      scf.if %cond3A_157 {
        %dma_wait3A_199 = arith.constant 0 : i32
        %dma_wait3A_200 = arith.constant 0 : i32
        %dma_wait3A_201 = tpu.memref_slice %arg6[%dma_wait3A_199, %dma_wait3A_200] : memref<10112x64xf32, #tpu.memory_space<vmem_shared>> -> memref<128x64xf32, #tpu.memory_space<vmem_shared>>
        %dma_wait3A_202 = arith.constant 0 : i32
        %dma_wait3A_203 = arith.constant 0 : i32
        %dma_wait3A_204 = tpu.memref_slice %arg6[%dma_wait3A_202, %dma_wait3A_203] : memref<10112x64xf32, #tpu.memory_space<vmem_shared>> -> memref<128x64xf32, #tpu.memory_space<vmem_shared>>
        tpu.wait_dma2 semaphore(%arg19 : memref<!tpu.dma_semaphore, #tpu.memory_space<semaphore_mem>>) src(%arg11 : memref<128x64xf32, #tpu.memory_space<vmem>>) dst(%dma_wait3A_204 : memref<128x64xf32, #tpu.memory_space<vmem_shared>>)
      } else {
      }
      %dma_start3A_158 = arith.constant 0 : i32
      %dma_start3A_159 = tpu.memref_slice %arg8[%add3A_152, %dma_start3A_158] : memref<81x128xi32, #tpu.memory_space<vmem>> -> memref<1x128xi32, #tpu.memory_space<vmem>>
      %dma_start3A_160 = tpu.memref_squeeze %dma_start3A_159 : memref<1x128xi32, #tpu.memory_space<vmem>> -> memref<128xi32, #tpu.memory_space<vmem>>
      %dma_start3A_161 = arith.constant 0 : i32
      %dma_start3A_162 = arith.constant 0 : i32
      %dma_start3A_163 = tpu.memref_slice %arg7[%dma_start3A_161, %dma_start3A_162] : memref<10000x64xf32, #tpu.memory_space<vmem_shared>> -> memref<10000x64xf32, #tpu.memory_space<vmem_shared>>
      tpu.enqueue_indirect_dma source(%dma_start3A_163 : memref<10000x64xf32, #tpu.memory_space<vmem_shared>>) target(%arg11 : memref<128x64xf32, #tpu.memory_space<vmem>>) offsets(%dma_start3A_160 : memref<128xi32, #tpu.memory_space<vmem>>) semaphore(%arg16 : memref<!tpu.dma_semaphore, #tpu.memory_space<semaphore_mem>>)
      %gt3A_164 = arith.constant 0 : i32
      %gt3A_165 = arith.cmpi sgt, %while3A_131, %gt3A_164 : i32
      %convert_element_type3A_166 = arith.extui %gt3A_165 : i1 to i32
      %cond3A_167 = arith.constant 0 : i32
      %cond3A_168 = arith.cmpi ne, %convert_element_type3A_166, %cond3A_167 : i32
      scf.if %cond3A_168 {
        %dma_wait3A_199 = arith.constant 0 : i32
        %dma_wait3A_200 = arith.constant 0 : i32
        %dma_wait3A_201 = tpu.memref_slice %arg8[%dma_wait3A_199, %dma_wait3A_200] : memref<81x128xi32, #tpu.memory_space<vmem>> -> memref<1x128xi32, #tpu.memory_space<vmem>>
        %dma_wait3A_202 = tpu.memref_squeeze %dma_wait3A_201 : memref<1x128xi32, #tpu.memory_space<vmem>> -> memref<128xi32, #tpu.memory_space<vmem>>
        %dma_wait3A_203 = arith.constant 0 : i32
        %dma_wait3A_204 = arith.constant 0 : i32
        %dma_wait3A_205 = tpu.memref_slice %arg7[%dma_wait3A_203, %dma_wait3A_204] : memref<10000x64xf32, #tpu.memory_space<vmem_shared>> -> memref<10000x64xf32, #tpu.memory_space<vmem_shared>>
        tpu.wait_indirect_dma semaphore(%arg17 : memref<!tpu.dma_semaphore, #tpu.memory_space<semaphore_mem>>) src(%dma_wait3A_205 : memref<10000x64xf32, #tpu.memory_space<vmem_shared>>) dst(%arg12 : memref<128x64xf32, #tpu.memory_space<vmem>>)
        %sub3A_206 = arith.constant 2 : i32
        %sub3A_207 = arith.subi %add3A_152, %sub3A_206 : i32
        %dma_start3A_208 = arith.constant 0 : i32
        %dma_start3A_209 = tpu.memref_slice %arg9[%sub3A_207, %dma_start3A_208] : memref<81x128xi32, #tpu.memory_space<vmem>> -> memref<1x128xi32, #tpu.memory_space<vmem>>
        %dma_start3A_210 = tpu.memref_squeeze %dma_start3A_209 : memref<1x128xi32, #tpu.memory_space<vmem>> -> memref<128xi32, #tpu.memory_space<vmem>>
        %dma_start3A_211 = arith.constant 0 : i32
        %dma_start3A_212 = arith.constant 0 : i32
        %dma_start3A_213 = tpu.memref_slice %arg6[%dma_start3A_211, %dma_start3A_212] : memref<10112x64xf32, #tpu.memory_space<vmem_shared>> -> memref<10112x64xf32, #tpu.memory_space<vmem_shared>>
        tpu.enqueue_indirect_dma source(%arg12 : memref<128x64xf32, #tpu.memory_space<vmem>>) target(%dma_start3A_213 : memref<10112x64xf32, #tpu.memory_space<vmem_shared>>) offsets(%dma_start3A_210 : memref<128xi32, #tpu.memory_space<vmem>>) semaphore(%arg20 : memref<!tpu.dma_semaphore, #tpu.memory_space<semaphore_mem>>) {add = true}
      } else {
      }
      %mul3A_169 = arith.constant 3 : i32
      %mul3A_170 = arith.muli %while3A_131, %mul3A_169 : i32
      %add3A_171 = arith.constant 2 : i32
      %add3A_172 = arith.addi %mul3A_170, %add3A_171 : i32
      %gt3A_173 = arith.constant 0 : i32
      %gt3A_174 = arith.cmpi sgt, %while3A_131, %gt3A_173 : i32
      %convert_element_type3A_175 = arith.extui %gt3A_174 : i1 to i32
      %cond3A_176 = arith.constant 0 : i32
      %cond3A_177 = arith.cmpi ne, %convert_element_type3A_175, %cond3A_176 : i32
      scf.if %cond3A_177 {
        %dma_wait3A_199 = arith.constant 0 : i32
        %dma_wait3A_200 = arith.constant 0 : i32
        %dma_wait3A_201 = tpu.memref_slice %arg6[%dma_wait3A_199, %dma_wait3A_200] : memref<10112x64xf32, #tpu.memory_space<vmem_shared>> -> memref<128x64xf32, #tpu.memory_space<vmem_shared>>
        %dma_wait3A_202 = arith.constant 0 : i32
        %dma_wait3A_203 = arith.constant 0 : i32
        %dma_wait3A_204 = tpu.memref_slice %arg6[%dma_wait3A_202, %dma_wait3A_203] : memref<10112x64xf32, #tpu.memory_space<vmem_shared>> -> memref<128x64xf32, #tpu.memory_space<vmem_shared>>
        tpu.wait_dma2 semaphore(%arg20 : memref<!tpu.dma_semaphore, #tpu.memory_space<semaphore_mem>>) src(%arg12 : memref<128x64xf32, #tpu.memory_space<vmem>>) dst(%dma_wait3A_204 : memref<128x64xf32, #tpu.memory_space<vmem_shared>>)
      } else {
      }
      %dma_start3A_178 = arith.constant 0 : i32
      %dma_start3A_179 = tpu.memref_slice %arg8[%add3A_172, %dma_start3A_178] : memref<81x128xi32, #tpu.memory_space<vmem>> -> memref<1x128xi32, #tpu.memory_space<vmem>>
      %dma_start3A_180 = tpu.memref_squeeze %dma_start3A_179 : memref<1x128xi32, #tpu.memory_space<vmem>> -> memref<128xi32, #tpu.memory_space<vmem>>
      %dma_start3A_181 = arith.constant 0 : i32
      %dma_start3A_182 = arith.constant 0 : i32
      %dma_start3A_183 = tpu.memref_slice %arg7[%dma_start3A_181, %dma_start3A_182] : memref<10000x64xf32, #tpu.memory_space<vmem_shared>> -> memref<10000x64xf32, #tpu.memory_space<vmem_shared>>
      tpu.enqueue_indirect_dma source(%dma_start3A_183 : memref<10000x64xf32, #tpu.memory_space<vmem_shared>>) target(%arg12 : memref<128x64xf32, #tpu.memory_space<vmem>>) offsets(%dma_start3A_180 : memref<128xi32, #tpu.memory_space<vmem>>) semaphore(%arg17 : memref<!tpu.dma_semaphore, #tpu.memory_space<semaphore_mem>>)
      %dma_wait3A_184 = arith.constant 0 : i32
      %dma_wait3A_185 = arith.constant 0 : i32
      %dma_wait3A_186 = tpu.memref_slice %arg8[%dma_wait3A_184, %dma_wait3A_185] : memref<81x128xi32, #tpu.memory_space<vmem>> -> memref<1x128xi32, #tpu.memory_space<vmem>>
      %dma_wait3A_187 = tpu.memref_squeeze %dma_wait3A_186 : memref<1x128xi32, #tpu.memory_space<vmem>> -> memref<128xi32, #tpu.memory_space<vmem>>
      %dma_wait3A_188 = arith.constant 0 : i32
      %dma_wait3A_189 = arith.constant 0 : i32
      %dma_wait3A_190 = tpu.memref_slice %arg7[%dma_wait3A_188, %dma_wait3A_189] : memref<10000x64xf32, #tpu.memory_space<vmem_shared>> -> memref<10000x64xf32, #tpu.memory_space<vmem_shared>>
      tpu.wait_indirect_dma semaphore(%arg15 : memref<!tpu.dma_semaphore, #tpu.memory_space<semaphore_mem>>) src(%dma_wait3A_190 : memref<10000x64xf32, #tpu.memory_space<vmem_shared>>) dst(%arg10 : memref<128x64xf32, #tpu.memory_space<vmem>>)
      %sub3A_191 = arith.constant 2 : i32
      %sub3A_192 = arith.subi %add3A_172, %sub3A_191 : i32
      %dma_start3A_193 = arith.constant 0 : i32
      %dma_start3A_194 = tpu.memref_slice %arg9[%sub3A_192, %dma_start3A_193] : memref<81x128xi32, #tpu.memory_space<vmem>> -> memref<1x128xi32, #tpu.memory_space<vmem>>
      %dma_start3A_195 = tpu.memref_squeeze %dma_start3A_194 : memref<1x128xi32, #tpu.memory_space<vmem>> -> memref<128xi32, #tpu.memory_space<vmem>>
      %dma_start3A_196 = arith.constant 0 : i32
      %dma_start3A_197 = arith.constant 0 : i32
      %dma_start3A_198 = tpu.memref_slice %arg6[%dma_start3A_196, %dma_start3A_197] : memref<10112x64xf32, #tpu.memory_space<vmem_shared>> -> memref<10112x64xf32, #tpu.memory_space<vmem_shared>>
      tpu.enqueue_indirect_dma source(%arg10 : memref<128x64xf32, #tpu.memory_space<vmem>>) target(%dma_start3A_198 : memref<10112x64xf32, #tpu.memory_space<vmem_shared>>) offsets(%dma_start3A_195 : memref<128xi32, #tpu.memory_space<vmem>>) semaphore(%arg18 : memref<!tpu.dma_semaphore, #tpu.memory_space<semaphore_mem>>) {add = true}
    }
    %while3A_77 = arith.constant 1 : i32
    scf.for %while3A_131 = %while3A_75 to %while3A_71 step %while3A_77  : i32 {
      %mul3A_132 = arith.constant 3 : i32
      %mul3A_133 = arith.muli %while3A_131, %mul3A_132 : i32
      %add3A_134 = arith.constant 0 : i32
      %add3A_135 = arith.addi %mul3A_133, %add3A_134 : i32
      %gt3A = arith.constant 0 : i32
      %gt3A_136 = arith.cmpi sgt, %while3A_131, %gt3A : i32
      %convert_element_type3A = arith.extui %gt3A_136 : i1 to i32
      %cond3A = arith.constant 0 : i32
      %cond3A_137 = arith.cmpi ne, %convert_element_type3A, %cond3A : i32
      scf.if %cond3A_137 {
        %dma_wait3A_199 = arith.constant 0 : i32
        %dma_wait3A_200 = arith.constant 0 : i32
        %dma_wait3A_201 = tpu.memref_slice %arg6[%dma_wait3A_199, %dma_wait3A_200] : memref<10112x64xf32, #tpu.memory_space<vmem_shared>> -> memref<128x64xf32, #tpu.memory_space<vmem_shared>>
        %dma_wait3A_202 = arith.constant 0 : i32
        %dma_wait3A_203 = arith.constant 0 : i32
        %dma_wait3A_204 = tpu.memref_slice %arg6[%dma_wait3A_202, %dma_wait3A_203] : memref<10112x64xf32, #tpu.memory_space<vmem_shared>> -> memref<128x64xf32, #tpu.memory_space<vmem_shared>>
        tpu.wait_dma2 semaphore(%arg18 : memref<!tpu.dma_semaphore, #tpu.memory_space<semaphore_mem>>) src(%arg10 : memref<128x64xf32, #tpu.memory_space<vmem>>) dst(%dma_wait3A_204 : memref<128x64xf32, #tpu.memory_space<vmem_shared>>)
      } else {
      }
      %dma_start3A_138 = arith.constant 0 : i32
      %dma_start3A_139 = tpu.memref_slice %arg8[%add3A_135, %dma_start3A_138] : memref<81x128xi32, #tpu.memory_space<vmem>> -> memref<1x128xi32, #tpu.memory_space<vmem>>
      %dma_start3A_140 = tpu.memref_squeeze %dma_start3A_139 : memref<1x128xi32, #tpu.memory_space<vmem>> -> memref<128xi32, #tpu.memory_space<vmem>>
      %dma_start3A_141 = arith.constant 0 : i32
      %dma_start3A_142 = arith.constant 0 : i32
      %dma_start3A_143 = tpu.memref_slice %arg7[%dma_start3A_141, %dma_start3A_142] : memref<10000x64xf32, #tpu.memory_space<vmem_shared>> -> memref<10000x64xf32, #tpu.memory_space<vmem_shared>>
      tpu.enqueue_indirect_dma source(%dma_start3A_143 : memref<10000x64xf32, #tpu.memory_space<vmem_shared>>) target(%arg10 : memref<128x64xf32, #tpu.memory_space<vmem>>) offsets(%dma_start3A_140 : memref<128xi32, #tpu.memory_space<vmem>>) semaphore(%arg15 : memref<!tpu.dma_semaphore, #tpu.memory_space<semaphore_mem>>)
      %gt3A_144 = arith.constant 0 : i32
      %gt3A_145 = arith.cmpi sgt, %while3A_131, %gt3A_144 : i32
      %convert_element_type3A_146 = arith.extui %gt3A_145 : i1 to i32
      %cond3A_147 = arith.constant 0 : i32
      %cond3A_148 = arith.cmpi ne, %convert_element_type3A_146, %cond3A_147 : i32
      scf.if %cond3A_148 {
        %dma_wait3A_199 = arith.constant 0 : i32
        %dma_wait3A_200 = arith.constant 0 : i32
        %dma_wait3A_201 = tpu.memref_slice %arg8[%dma_wait3A_199, %dma_wait3A_200] : memref<81x128xi32, #tpu.memory_space<vmem>> -> memref<1x128xi32, #tpu.memory_space<vmem>>
        %dma_wait3A_202 = tpu.memref_squeeze %dma_wait3A_201 : memref<1x128xi32, #tpu.memory_space<vmem>> -> memref<128xi32, #tpu.memory_space<vmem>>
        %dma_wait3A_203 = arith.constant 0 : i32
        %dma_wait3A_204 = arith.constant 0 : i32
        %dma_wait3A_205 = tpu.memref_slice %arg7[%dma_wait3A_203, %dma_wait3A_204] : memref<10000x64xf32, #tpu.memory_space<vmem_shared>> -> memref<10000x64xf32, #tpu.memory_space<vmem_shared>>
        tpu.wait_indirect_dma semaphore(%arg16 : memref<!tpu.dma_semaphore, #tpu.memory_space<semaphore_mem>>) src(%dma_wait3A_205 : memref<10000x64xf32, #tpu.memory_space<vmem_shared>>) dst(%arg11 : memref<128x64xf32, #tpu.memory_space<vmem>>)
        %sub3A_206 = arith.constant 2 : i32
        %sub3A_207 = arith.subi %add3A_135, %sub3A_206 : i32
        %dma_start3A_208 = arith.constant 0 : i32
        %dma_start3A_209 = tpu.memref_slice %arg9[%sub3A_207, %dma_start3A_208] : memref<81x128xi32, #tpu.memory_space<vmem>> -> memref<1x128xi32, #tpu.memory_space<vmem>>
        %dma_start3A_210 = tpu.memref_squeeze %dma_start3A_209 : memref<1x128xi32, #tpu.memory_space<vmem>> -> memref<128xi32, #tpu.memory_space<vmem>>
        %dma_start3A_211 = arith.constant 0 : i32
        %dma_start3A_212 = arith.constant 0 : i32
        %dma_start3A_213 = tpu.memref_slice %arg6[%dma_start3A_211, %dma_start3A_212] : memref<10112x64xf32, #tpu.memory_space<vmem_shared>> -> memref<10112x64xf32, #tpu.memory_space<vmem_shared>>
        tpu.enqueue_indirect_dma source(%arg11 : memref<128x64xf32, #tpu.memory_space<vmem>>) target(%dma_start3A_213 : memref<10112x64xf32, #tpu.memory_space<vmem_shared>>) offsets(%dma_start3A_210 : memref<128xi32, #tpu.memory_space<vmem>>) semaphore(%arg19 : memref<!tpu.dma_semaphore, #tpu.memory_space<semaphore_mem>>) {add = true}
      } else {
      }
      %mul3A_149 = arith.constant 3 : i32
      %mul3A_150 = arith.muli %while3A_131, %mul3A_149 : i32
      %add3A_151 = arith.constant 1 : i32
      %add3A_152 = arith.addi %mul3A_150, %add3A_151 : i32
      %gt3A_153 = arith.constant 0 : i32
      %gt3A_154 = arith.cmpi sgt, %while3A_131, %gt3A_153 : i32
      %convert_element_type3A_155 = arith.extui %gt3A_154 : i1 to i32
      %cond3A_156 = arith.constant 0 : i32
      %cond3A_157 = arith.cmpi ne, %convert_element_type3A_155, %cond3A_156 : i32
      scf.if %cond3A_157 {
        %dma_wait3A_199 = arith.constant 0 : i32
        %dma_wait3A_200 = arith.constant 0 : i32
        %dma_wait3A_201 = tpu.memref_slice %arg6[%dma_wait3A_199, %dma_wait3A_200] : memref<10112x64xf32, #tpu.memory_space<vmem_shared>> -> memref<128x64xf32, #tpu.memory_space<vmem_shared>>
        %dma_wait3A_202 = arith.constant 0 : i32
        %dma_wait3A_203 = arith.constant 0 : i32
        %dma_wait3A_204 = tpu.memref_slice %arg6[%dma_wait3A_202, %dma_wait3A_203] : memref<10112x64xf32, #tpu.memory_space<vmem_shared>> -> memref<128x64xf32, #tpu.memory_space<vmem_shared>>
        tpu.wait_dma2 semaphore(%arg19 : memref<!tpu.dma_semaphore, #tpu.memory_space<semaphore_mem>>) src(%arg11 : memref<128x64xf32, #tpu.memory_space<vmem>>) dst(%dma_wait3A_204 : memref<128x64xf32, #tpu.memory_space<vmem_shared>>)
      } else {
      }
      %dma_start3A_158 = arith.constant 0 : i32
      %dma_start3A_159 = tpu.memref_slice %arg8[%add3A_152, %dma_start3A_158] : memref<81x128xi32, #tpu.memory_space<vmem>> -> memref<1x128xi32, #tpu.memory_space<vmem>>
      %dma_start3A_160 = tpu.memref_squeeze %dma_start3A_159 : memref<1x128xi32, #tpu.memory_space<vmem>> -> memref<128xi32, #tpu.memory_space<vmem>>
      %dma_start3A_161 = arith.constant 0 : i32
      %dma_start3A_162 = arith.constant 0 : i32
      %dma_start3A_163 = tpu.memref_slice %arg7[%dma_start3A_161, %dma_start3A_162] : memref<10000x64xf32, #tpu.memory_space<vmem_shared>> -> memref<10000x64xf32, #tpu.memory_space<vmem_shared>>
      tpu.enqueue_indirect_dma source(%dma_start3A_163 : memref<10000x64xf32, #tpu.memory_space<vmem_shared>>) target(%arg11 : memref<128x64xf32, #tpu.memory_space<vmem>>) offsets(%dma_start3A_160 : memref<128xi32, #tpu.memory_space<vmem>>) semaphore(%arg16 : memref<!tpu.dma_semaphore, #tpu.memory_space<semaphore_mem>>)
      %gt3A_164 = arith.constant 0 : i32
      %gt3A_165 = arith.cmpi sgt, %while3A_131, %gt3A_164 : i32
      %convert_element_type3A_166 = arith.extui %gt3A_165 : i1 to i32
      %cond3A_167 = arith.constant 0 : i32
      %cond3A_168 = arith.cmpi ne, %convert_element_type3A_166, %cond3A_167 : i32
      scf.if %cond3A_168 {
        %dma_wait3A_199 = arith.constant 0 : i32
        %dma_wait3A_200 = arith.constant 0 : i32
        %dma_wait3A_201 = tpu.memref_slice %arg8[%dma_wait3A_199, %dma_wait3A_200] : memref<81x128xi32, #tpu.memory_space<vmem>> -> memref<1x128xi32, #tpu.memory_space<vmem>>
        %dma_wait3A_202 = tpu.memref_squeeze %dma_wait3A_201 : memref<1x128xi32, #tpu.memory_space<vmem>> -> memref<128xi32, #tpu.memory_space<vmem>>
        %dma_wait3A_203 = arith.constant 0 : i32
        %dma_wait3A_204 = arith.constant 0 : i32
        %dma_wait3A_205 = tpu.memref_slice %arg7[%dma_wait3A_203, %dma_wait3A_204] : memref<10000x64xf32, #tpu.memory_space<vmem_shared>> -> memref<10000x64xf32, #tpu.memory_space<vmem_shared>>
        tpu.wait_indirect_dma semaphore(%arg17 : memref<!tpu.dma_semaphore, #tpu.memory_space<semaphore_mem>>) src(%dma_wait3A_205 : memref<10000x64xf32, #tpu.memory_space<vmem_shared>>) dst(%arg12 : memref<128x64xf32, #tpu.memory_space<vmem>>)
        %sub3A_206 = arith.constant 2 : i32
        %sub3A_207 = arith.subi %add3A_152, %sub3A_206 : i32
        %dma_start3A_208 = arith.constant 0 : i32
        %dma_start3A_209 = tpu.memref_slice %arg9[%sub3A_207, %dma_start3A_208] : memref<81x128xi32, #tpu.memory_space<vmem>> -> memref<1x128xi32, #tpu.memory_space<vmem>>
        %dma_start3A_210 = tpu.memref_squeeze %dma_start3A_209 : memref<1x128xi32, #tpu.memory_space<vmem>> -> memref<128xi32, #tpu.memory_space<vmem>>
        %dma_start3A_211 = arith.constant 0 : i32
        %dma_start3A_212 = arith.constant 0 : i32
        %dma_start3A_213 = tpu.memref_slice %arg6[%dma_start3A_211, %dma_start3A_212] : memref<10112x64xf32, #tpu.memory_space<vmem_shared>> -> memref<10112x64xf32, #tpu.memory_space<vmem_shared>>
        tpu.enqueue_indirect_dma source(%arg12 : memref<128x64xf32, #tpu.memory_space<vmem>>) target(%dma_start3A_213 : memref<10112x64xf32, #tpu.memory_space<vmem_shared>>) offsets(%dma_start3A_210 : memref<128xi32, #tpu.memory_space<vmem>>) semaphore(%arg20 : memref<!tpu.dma_semaphore, #tpu.memory_space<semaphore_mem>>) {add = true}
      } else {
      }
      %mul3A_169 = arith.constant 3 : i32
      %mul3A_170 = arith.muli %while3A_131, %mul3A_169 : i32
      %add3A_171 = arith.constant 2 : i32
      %add3A_172 = arith.addi %mul3A_170, %add3A_171 : i32
      %gt3A_173 = arith.constant 0 : i32
      %gt3A_174 = arith.cmpi sgt, %while3A_131, %gt3A_173 : i32
      %convert_element_type3A_175 = arith.extui %gt3A_174 : i1 to i32
      %cond3A_176 = arith.constant 0 : i32
      %cond3A_177 = arith.cmpi ne, %convert_element_type3A_175, %cond3A_176 : i32
      scf.if %cond3A_177 {
        %dma_wait3A_199 = arith.constant 0 : i32
        %dma_wait3A_200 = arith.constant 0 : i32
        %dma_wait3A_201 = tpu.memref_slice %arg6[%dma_wait3A_199, %dma_wait3A_200] : memref<10112x64xf32, #tpu.memory_space<vmem_shared>> -> memref<128x64xf32, #tpu.memory_space<vmem_shared>>
        %dma_wait3A_202 = arith.constant 0 : i32
        %dma_wait3A_203 = arith.constant 0 : i32
        %dma_wait3A_204 = tpu.memref_slice %arg6[%dma_wait3A_202, %dma_wait3A_203] : memref<10112x64xf32, #tpu.memory_space<vmem_shared>> -> memref<128x64xf32, #tpu.memory_space<vmem_shared>>
        tpu.wait_dma2 semaphore(%arg20 : memref<!tpu.dma_semaphore, #tpu.memory_space<semaphore_mem>>) src(%arg12 : memref<128x64xf32, #tpu.memory_space<vmem>>) dst(%dma_wait3A_204 : memref<128x64xf32, #tpu.memory_space<vmem_shared>>)
      } else {
      }
      %dma_start3A_178 = arith.constant 0 : i32
      %dma_start3A_179 = tpu.memref_slice %arg8[%add3A_172, %dma_start3A_178] : memref<81x128xi32, #tpu.memory_space<vmem>> -> memref<1x128xi32, #tpu.memory_space<vmem>>
      %dma_start3A_180 = tpu.memref_squeeze %dma_start3A_179 : memref<1x128xi32, #tpu.memory_space<vmem>> -> memref<128xi32, #tpu.memory_space<vmem>>
      %dma_start3A_181 = arith.constant 0 : i32
      %dma_start3A_182 = arith.constant 0 : i32
      %dma_start3A_183 = tpu.memref_slice %arg7[%dma_start3A_181, %dma_start3A_182] : memref<10000x64xf32, #tpu.memory_space<vmem_shared>> -> memref<10000x64xf32, #tpu.memory_space<vmem_shared>>
      tpu.enqueue_indirect_dma source(%dma_start3A_183 : memref<10000x64xf32, #tpu.memory_space<vmem_shared>>) target(%arg12 : memref<128x64xf32, #tpu.memory_space<vmem>>) offsets(%dma_start3A_180 : memref<128xi32, #tpu.memory_space<vmem>>) semaphore(%arg17 : memref<!tpu.dma_semaphore, #tpu.memory_space<semaphore_mem>>)
      %dma_wait3A_184 = arith.constant 0 : i32
      %dma_wait3A_185 = arith.constant 0 : i32
      %dma_wait3A_186 = tpu.memref_slice %arg8[%dma_wait3A_184, %dma_wait3A_185] : memref<81x128xi32, #tpu.memory_space<vmem>> -> memref<1x128xi32, #tpu.memory_space<vmem>>
      %dma_wait3A_187 = tpu.memref_squeeze %dma_wait3A_186 : memref<1x128xi32, #tpu.memory_space<vmem>> -> memref<128xi32, #tpu.memory_space<vmem>>
      %dma_wait3A_188 = arith.constant 0 : i32
      %dma_wait3A_189 = arith.constant 0 : i32
      %dma_wait3A_190 = tpu.memref_slice %arg7[%dma_wait3A_188, %dma_wait3A_189] : memref<10000x64xf32, #tpu.memory_space<vmem_shared>> -> memref<10000x64xf32, #tpu.memory_space<vmem_shared>>
      tpu.wait_indirect_dma semaphore(%arg15 : memref<!tpu.dma_semaphore, #tpu.memory_space<semaphore_mem>>) src(%dma_wait3A_190 : memref<10000x64xf32, #tpu.memory_space<vmem_shared>>) dst(%arg10 : memref<128x64xf32, #tpu.memory_space<vmem>>)
      %sub3A_191 = arith.constant 2 : i32
      %sub3A_192 = arith.subi %add3A_172, %sub3A_191 : i32
      %dma_start3A_193 = arith.constant 0 : i32
      %dma_start3A_194 = tpu.memref_slice %arg9[%sub3A_192, %dma_start3A_193] : memref<81x128xi32, #tpu.memory_space<vmem>> -> memref<1x128xi32, #tpu.memory_space<vmem>>
      %dma_start3A_195 = tpu.memref_squeeze %dma_start3A_194 : memref<1x128xi32, #tpu.memory_space<vmem>> -> memref<128xi32, #tpu.memory_space<vmem>>
      %dma_start3A_196 = arith.constant 0 : i32
      %dma_start3A_197 = arith.constant 0 : i32
      %dma_start3A_198 = tpu.memref_slice %arg6[%dma_start3A_196, %dma_start3A_197] : memref<10112x64xf32, #tpu.memory_space<vmem_shared>> -> memref<10112x64xf32, #tpu.memory_space<vmem_shared>>
      tpu.enqueue_indirect_dma source(%arg10 : memref<128x64xf32, #tpu.memory_space<vmem>>) target(%dma_start3A_198 : memref<10112x64xf32, #tpu.memory_space<vmem_shared>>) offsets(%dma_start3A_195 : memref<128xi32, #tpu.memory_space<vmem>>) semaphore(%arg18 : memref<!tpu.dma_semaphore, #tpu.memory_space<semaphore_mem>>) {add = true}
    }
    %dma_wait3A_78 = arith.constant 0 : i32
    %dma_wait3A_79 = arith.constant 0 : i32
    %dma_wait3A_80 = tpu.memref_slice %arg8[%dma_wait3A_78, %dma_wait3A_79] : memref<81x128xi32, #tpu.memory_space<vmem>> -> memref<1x128xi32, #tpu.memory_space<vmem>>
    %dma_wait3A_81 = tpu.memref_squeeze %dma_wait3A_80 : memref<1x128xi32, #tpu.memory_space<vmem>> -> memref<128xi32, #tpu.memory_space<vmem>>
    %dma_wait3A_82 = arith.constant 0 : i32
    %dma_wait3A_83 = arith.constant 0 : i32
    %dma_wait3A_84 = tpu.memref_slice %arg7[%dma_wait3A_82, %dma_wait3A_83] : memref<10000x64xf32, #tpu.memory_space<vmem_shared>> -> memref<10000x64xf32, #tpu.memory_space<vmem_shared>>
    tpu.wait_indirect_dma semaphore(%arg16 : memref<!tpu.dma_semaphore, #tpu.memory_space<semaphore_mem>>) src(%dma_wait3A_84 : memref<10000x64xf32, #tpu.memory_space<vmem_shared>>) dst(%arg11 : memref<128x64xf32, #tpu.memory_space<vmem>>)
    %sub3A_85 = arith.constant 2 : i32
    %sub3A_86 = arith.subi %select_n3A, %sub3A_85 : i32
    %add3A_87 = arith.constant 0 : i32
    %add3A_88 = arith.addi %sub3A_86, %add3A_87 : i32
    %dma_start3A_89 = arith.constant 0 : i32
    %dma_start3A_90 = tpu.memref_slice %arg9[%add3A_88, %dma_start3A_89] : memref<81x128xi32, #tpu.memory_space<vmem>> -> memref<1x128xi32, #tpu.memory_space<vmem>>
    %dma_start3A_91 = tpu.memref_squeeze %dma_start3A_90 : memref<1x128xi32, #tpu.memory_space<vmem>> -> memref<128xi32, #tpu.memory_space<vmem>>
    %dma_start3A_92 = arith.constant 0 : i32
    %dma_start3A_93 = arith.constant 0 : i32
    %dma_start3A_94 = tpu.memref_slice %arg6[%dma_start3A_92, %dma_start3A_93] : memref<10112x64xf32, #tpu.memory_space<vmem_shared>> -> memref<10112x64xf32, #tpu.memory_space<vmem_shared>>
    tpu.enqueue_indirect_dma source(%arg11 : memref<128x64xf32, #tpu.memory_space<vmem>>) target(%dma_start3A_94 : memref<10112x64xf32, #tpu.memory_space<vmem_shared>>) offsets(%dma_start3A_91 : memref<128xi32, #tpu.memory_space<vmem>>) semaphore(%arg19 : memref<!tpu.dma_semaphore, #tpu.memory_space<semaphore_mem>>) {add = true}
    %dma_wait3A_95 = arith.constant 0 : i32
    %dma_wait3A_96 = arith.constant 0 : i32
    %dma_wait3A_97 = tpu.memref_slice %arg8[%dma_wait3A_95, %dma_wait3A_96] : memref<81x128xi32, #tpu.memory_space<vmem>> -> memref<1x128xi32, #tpu.memory_space<vmem>>
    %dma_wait3A_98 = tpu.memref_squeeze %dma_wait3A_97 : memref<1x128xi32, #tpu.memory_space<vmem>> -> memref<128xi32, #tpu.memory_space<vmem>>
    %dma_wait3A_99 = arith.constant 0 : i32
    %dma_wait3A_100 = arith.constant 0 : i32
    %dma_wait3A_101 = tpu.memref_slice %arg7[%dma_wait3A_99, %dma_wait3A_100] : memref<10000x64xf32, #tpu.memory_space<vmem_shared>> -> memref<10000x64xf32, #tpu.memory_space<vmem_shared>>
    tpu.wait_indirect_dma semaphore(%arg17 : memref<!tpu.dma_semaphore, #tpu.memory_space<semaphore_mem>>) src(%dma_wait3A_101 : memref<10000x64xf32, #tpu.memory_space<vmem_shared>>) dst(%arg12 : memref<128x64xf32, #tpu.memory_space<vmem>>)
    %sub3A_102 = arith.constant 2 : i32
    %sub3A_103 = arith.subi %select_n3A, %sub3A_102 : i32
    %add3A_104 = arith.constant 1 : i32
    %add3A_105 = arith.addi %sub3A_103, %add3A_104 : i32
    %dma_start3A_106 = arith.constant 0 : i32
    %dma_start3A_107 = tpu.memref_slice %arg9[%add3A_105, %dma_start3A_106] : memref<81x128xi32, #tpu.memory_space<vmem>> -> memref<1x128xi32, #tpu.memory_space<vmem>>
    %dma_start3A_108 = tpu.memref_squeeze %dma_start3A_107 : memref<1x128xi32, #tpu.memory_space<vmem>> -> memref<128xi32, #tpu.memory_space<vmem>>
    %dma_start3A_109 = arith.constant 0 : i32
    %dma_start3A_110 = arith.constant 0 : i32
    %dma_start3A_111 = tpu.memref_slice %arg6[%dma_start3A_109, %dma_start3A_110] : memref<10112x64xf32, #tpu.memory_space<vmem_shared>> -> memref<10112x64xf32, #tpu.memory_space<vmem_shared>>
    tpu.enqueue_indirect_dma source(%arg12 : memref<128x64xf32, #tpu.memory_space<vmem>>) target(%dma_start3A_111 : memref<10112x64xf32, #tpu.memory_space<vmem_shared>>) offsets(%dma_start3A_108 : memref<128xi32, #tpu.memory_space<vmem>>) semaphore(%arg20 : memref<!tpu.dma_semaphore, #tpu.memory_space<semaphore_mem>>) {add = true}
    %dma_wait3A_112 = arith.constant 0 : i32
    %dma_wait3A_113 = arith.constant 0 : i32
    %dma_wait3A_114 = tpu.memref_slice %arg6[%dma_wait3A_112, %dma_wait3A_113] : memref<10112x64xf32, #tpu.memory_space<vmem_shared>> -> memref<128x64xf32, #tpu.memory_space<vmem_shared>>
    %dma_wait3A_115 = arith.constant 0 : i32
    %dma_wait3A_116 = arith.constant 0 : i32
    %dma_wait3A_117 = tpu.memref_slice %arg6[%dma_wait3A_115, %dma_wait3A_116] : memref<10112x64xf32, #tpu.memory_space<vmem_shared>> -> memref<128x64xf32, #tpu.memory_space<vmem_shared>>
    tpu.wait_dma2 semaphore(%arg18 : memref<!tpu.dma_semaphore, #tpu.memory_space<semaphore_mem>>) src(%arg10 : memref<128x64xf32, #tpu.memory_space<vmem>>) dst(%dma_wait3A_117 : memref<128x64xf32, #tpu.memory_space<vmem_shared>>)
    %dma_wait3A_118 = arith.constant 0 : i32
    %dma_wait3A_119 = arith.constant 0 : i32
    %dma_wait3A_120 = tpu.memref_slice %arg6[%dma_wait3A_118, %dma_wait3A_119] : memref<10112x64xf32, #tpu.memory_space<vmem_shared>> -> memref<128x64xf32, #tpu.memory_space<vmem_shared>>
    %dma_wait3A_121 = arith.constant 0 : i32
    %dma_wait3A_122 = arith.constant 0 : i32
    %dma_wait3A_123 = tpu.memref_slice %arg6[%dma_wait3A_121, %dma_wait3A_122] : memref<10112x64xf32, #tpu.memory_space<vmem_shared>> -> memref<128x64xf32, #tpu.memory_space<vmem_shared>>
    tpu.wait_dma2 semaphore(%arg19 : memref<!tpu.dma_semaphore, #tpu.memory_space<semaphore_mem>>) src(%arg11 : memref<128x64xf32, #tpu.memory_space<vmem>>) dst(%dma_wait3A_123 : memref<128x64xf32, #tpu.memory_space<vmem_shared>>)
    %dma_wait3A_124 = arith.constant 0 : i32
    %dma_wait3A_125 = arith.constant 0 : i32
    %dma_wait3A_126 = tpu.memref_slice %arg6[%dma_wait3A_124, %dma_wait3A_125] : memref<10112x64xf32, #tpu.memory_space<vmem_shared>> -> memref<128x64xf32, #tpu.memory_space<vmem_shared>>
    %dma_wait3A_127 = arith.constant 0 : i32
    %dma_wait3A_128 = arith.constant 0 : i32
    %dma_wait3A_129 = tpu.memref_slice %arg6[%dma_wait3A_127, %dma_wait3A_128] : memref<10112x64xf32, #tpu.memory_space<vmem_shared>> -> memref<128x64xf32, #tpu.memory_space<vmem_shared>>
    tpu.wait_dma2 semaphore(%arg20 : memref<!tpu.dma_semaphore, #tpu.memory_space<semaphore_mem>>) src(%arg12 : memref<128x64xf32, #tpu.memory_space<vmem>>) dst(%dma_wait3A_129 : memref<128x64xf32, #tpu.memory_space<vmem_shared>>)
    %barrier3A_130 = arith.constant 0 : index
    tpu.barrier barrier_id(%barrier3A_130)
    "tpu.region"() ({
      %run_scoped3A = tpu.sem_alloc : memref<!tpu.dma_semaphore, #tpu.memory_space<semaphore_mem>>
      %dma_start3A_131 = arith.constant 0 : i32
      %dma_start3A_132 = arith.constant 0 : i32
      %dma_start3A_133 = tpu.memref_slice %arg5[%arg0, %arg1, %dma_start3A_131, %dma_start3A_132] : memref<2x16x632x64xf32, #tpu.memory_space<hbm>> -> memref<1x1x632x64xf32, #tpu.memory_space<hbm>>
      %dma_start3A_134 = tpu.memref_squeeze %dma_start3A_133 : memref<1x1x632x64xf32, #tpu.memory_space<hbm>> -> memref<632x64xf32, #tpu.memory_space<hbm>>
      %dma_start3A_135 = arith.constant 0 : i32
      %dma_start3A_136 = tpu.memref_slice %arg6[%multiple_of3A_29, %dma_start3A_135] : memref<10112x64xf32, #tpu.memory_space<vmem_shared>> -> memref<632x64xf32, #tpu.memory_space<vmem_shared>>
      tpu.enqueue_dma source(%dma_start3A_136 : memref<632x64xf32, #tpu.memory_space<vmem_shared>>) target(%dma_start3A_134 : memref<632x64xf32, #tpu.memory_space<hbm>>) target_semaphore(%run_scoped3A : memref<!tpu.dma_semaphore, #tpu.memory_space<semaphore_mem>>)
      %dma_wait3A_137 = arith.constant 0 : i32
      %dma_wait3A_138 = arith.constant 0 : i32
      %dma_wait3A_139 = tpu.memref_slice %arg5[%arg0, %arg1, %dma_wait3A_137, %dma_wait3A_138] : memref<2x16x632x64xf32, #tpu.memory_space<hbm>> -> memref<1x1x632x64xf32, #tpu.memory_space<hbm>>
      %dma_wait3A_140 = tpu.memref_squeeze %dma_wait3A_139 : memref<1x1x632x64xf32, #tpu.memory_space<hbm>> -> memref<632x64xf32, #tpu.memory_space<hbm>>
      %dma_wait3A_141 = arith.constant 0 : i32
      %dma_wait3A_142 = tpu.memref_slice %arg6[%multiple_of3A_29, %dma_wait3A_141] : memref<10112x64xf32, #tpu.memory_space<vmem_shared>> -> memref<632x64xf32, #tpu.memory_space<vmem_shared>>
      tpu.wait_dma2 semaphore(%run_scoped3A : memref<!tpu.dma_semaphore, #tpu.memory_space<semaphore_mem>>) src(%dma_wait3A_142 : memref<632x64xf32, #tpu.memory_space<vmem_shared>>) dst(%dma_wait3A_140 : memref<632x64xf32, #tpu.memory_space<hbm>>)
      tpu.yield
    }) : () -> ()
    return
  }
}

module attributes {stable_mosaic.version = 14 : i64} {
  func.func @_tc1_body(%arg0: memref<10000x128xf32, #tpu.memory_space<vmem>>, %arg1: memref<128x64xf32, #tpu.memory_space<vmem>>, %arg2: memref<32x10112xf32, #tpu.memory_space<vmem>>, %arg3: memref<10000x64xf32, #tpu.memory_space<vmem>>) attributes {dimension_semantics = [], scalar_prefetch = 0 : i64, scratch_operands = 0 : i64, tpu.core_type = #tpu.core_type<tc>} {
    %get3A = arith.constant 0 : index
    %get3A_0 = arith.constant 0 : index
    %get3A_1 = vector.load %arg2[%get3A, %get3A_0] : memref<32x10112xf32, #tpu.memory_space<vmem>>, vector<32x10112xf32>
    %broadcast_in_dim3A = arith.constant 1.000000e+00 : f32
    %broadcast_in_dim3A_2 = vector.broadcast %broadcast_in_dim3A : f32 to vector<32x1xf32>
    %dot_general3A = arith.constant dense<0.000000e+00> : vector<10112x1xf32>
    %dot_general3A_3 = tpu.matmul %get3A_1, %broadcast_in_dim3A_2, %dot_general3A {dimension_numbers = #tpu.dot_dimension_numbers<[0], [0], [1], [1], [0, 1, 1, 1], [], []>, transpose_lhs_hint = false} : vector<32x10112xf32>, vector<32x1xf32>, vector<10112x1xf32> -> vector<10112x1xf32>
    %slice3A = vector.extract_strided_slice %dot_general3A_3 {offsets = [0, 0], sizes = [10000, 1], strides = [1, 1]} : vector<10112x1xf32> to vector<10000x1xf32>
    %max3A = arith.constant 9.99999996E-13 : f32
    %max3A_4 = vector.broadcast %max3A : f32 to vector<10000x1xf32>
    %max3A_5 = arith.maximumf %slice3A, %max3A_4 : vector<10000x1xf32>
    %rsqrt3A = math.rsqrt %max3A_5 : vector<10000x1xf32>
    %get3A_6 = arith.constant 0 : index
    %get3A_7 = arith.constant 0 : index
    %get3A_8 = vector.load %arg0[%get3A_6, %get3A_7] : memref<10000x128xf32, #tpu.memory_space<vmem>>, vector<10000x128xf32>
    %get3A_9 = arith.constant 0 : index
    %get3A_10 = arith.constant 0 : index
    %get3A_11 = vector.load %arg1[%get3A_9, %get3A_10] : memref<128x64xf32, #tpu.memory_space<vmem>>, vector<128x64xf32>
    %dot_general3A_12 = arith.constant dense<0.000000e+00> : vector<10000x64xf32>
    %dot_general3A_13 = tpu.matmul %get3A_8, %get3A_11, %dot_general3A_12 {dimension_numbers = #tpu.dot_dimension_numbers<[1], [0], [0], [1], [0, 0, 1, 1], [], []>, transpose_lhs_hint = false} : vector<10000x128xf32>, vector<128x64xf32>, vector<10000x64xf32> -> vector<10000x64xf32>
    %mul3A = vector.broadcast %rsqrt3A : vector<10000x1xf32> to vector<10000x64xf32>
    %mul3A_14 = arith.mulf %dot_general3A_13, %mul3A : vector<10000x64xf32>
    %swap3A = arith.constant 0 : index
    %swap3A_15 = arith.constant 0 : index
    %swap3A_16 = vector.load %arg3[%swap3A, %swap3A_15] : memref<10000x64xf32, #tpu.memory_space<vmem>>, vector<10000x64xf32>
    tpu.vector_store %arg3[%swap3A, %swap3A_15], %mul3A_14 {strides = array<i32>} : memref<10000x64xf32, #tpu.memory_space<vmem>>, vector<10000x64xf32>,
    return
  }
}

module attributes {stable_mosaic.version = 14 : i64} {
  func.func @_tc2_body(%arg0: memref<2x10112x64xf32, #tpu.memory_space<vmem>>, %arg1: memref<32x10112xf32, #tpu.memory_space<vmem>>, %arg2: memref<1x64xf32, #tpu.memory_space<vmem>>, %arg3: memref<64x32xf32, #tpu.memory_space<vmem>>, %arg4: memref<10000x32xf32, #tpu.memory_space<vmem>>) attributes {dimension_semantics = [], scalar_prefetch = 0 : i64, scratch_operands = 0 : i64, tpu.core_type = #tpu.core_type<tc>} {
    %get3A = arith.constant 0 : index
    %get3A_0 = arith.constant 0 : index
    %get3A_1 = vector.load %arg1[%get3A, %get3A_0] : memref<32x10112xf32, #tpu.memory_space<vmem>>, vector<32x10112xf32>
    %broadcast_in_dim3A = arith.constant 1.000000e+00 : f32
    %broadcast_in_dim3A_2 = vector.broadcast %broadcast_in_dim3A : f32 to vector<32x1xf32>
    %dot_general3A = arith.constant dense<0.000000e+00> : vector<10112x1xf32>
    %dot_general3A_3 = tpu.matmul %get3A_1, %broadcast_in_dim3A_2, %dot_general3A {dimension_numbers = #tpu.dot_dimension_numbers<[0], [0], [1], [1], [0, 1, 1, 1], [], []>, transpose_lhs_hint = false} : vector<32x10112xf32>, vector<32x1xf32>, vector<10112x1xf32> -> vector<10112x1xf32>
    %slice3A = vector.extract_strided_slice %dot_general3A_3 {offsets = [0, 0], sizes = [10000, 1], strides = [1, 1]} : vector<10112x1xf32> to vector<10000x1xf32>
    %max3A = arith.constant 9.99999996E-13 : f32
    %max3A_4 = vector.broadcast %max3A : f32 to vector<10000x1xf32>
    %max3A_5 = arith.maximumf %slice3A, %max3A_4 : vector<10000x1xf32>
    %rsqrt3A = math.rsqrt %max3A_5 : vector<10000x1xf32>
    %get3A_6 = arith.constant 0 : index
    %get3A_7 = arith.constant 0 : index
    %get3A_8 = arith.constant 0 : index
    %get3A_9 = vector.load %arg0[%get3A_6, %get3A_7, %get3A_8] : memref<2x10112x64xf32, #tpu.memory_space<vmem>>, vector<1x10000x64xf32>
    %get3A_10 = vector.shape_cast %get3A_9 : vector<1x10000x64xf32> to vector<10000x64xf32>
    %get3A_11 = arith.constant 1 : index
    %get3A_12 = arith.constant 0 : index
    %get3A_13 = arith.constant 0 : index
    %get3A_14 = vector.load %arg0[%get3A_11, %get3A_12, %get3A_13] : memref<2x10112x64xf32, #tpu.memory_space<vmem>>, vector<1x10000x64xf32>
    %get3A_15 = vector.shape_cast %get3A_14 : vector<1x10000x64xf32> to vector<10000x64xf32>
    %add3A = arith.addf %get3A_10, %get3A_15 : vector<10000x64xf32>
    %mul3A = vector.broadcast %rsqrt3A : vector<10000x1xf32> to vector<10000x64xf32>
    %mul3A_16 = arith.mulf %mul3A, %add3A : vector<10000x64xf32>
    %get3A_17 = arith.constant 0 : index
    %get3A_18 = arith.constant 0 : index
    %get3A_19 = vector.load %arg2[%get3A_17, %get3A_18] : memref<1x64xf32, #tpu.memory_space<vmem>>, vector<1x64xf32>
    %add3A_20 = vector.broadcast %get3A_19 : vector<1x64xf32> to vector<10000x64xf32>
    %add3A_21 = arith.addf %mul3A_16, %add3A_20 : vector<10000x64xf32>
    %max3A_22 = arith.constant 0.000000e+00 : f32
    %max3A_23 = vector.broadcast %max3A_22 : f32 to vector<10000x64xf32>
    %max3A_24 = arith.maximumf %add3A_21, %max3A_23 : vector<10000x64xf32>
    %get3A_25 = arith.constant 0 : index
    %get3A_26 = arith.constant 0 : index
    %get3A_27 = vector.load %arg3[%get3A_25, %get3A_26] : memref<64x32xf32, #tpu.memory_space<vmem>>, vector<64x32xf32>
    %dot_general3A_28 = arith.constant dense<0.000000e+00> : vector<10000x32xf32>
    %dot_general3A_29 = tpu.matmul %max3A_24, %get3A_27, %dot_general3A_28 {dimension_numbers = #tpu.dot_dimension_numbers<[1], [0], [0], [1], [0, 0, 1, 1], [], []>, transpose_lhs_hint = false} : vector<10000x64xf32>, vector<64x32xf32>, vector<10000x32xf32> -> vector<10000x32xf32>
    %mul3A_30 = vector.broadcast %rsqrt3A : vector<10000x1xf32> to vector<10000x32xf32>
    %mul3A_31 = arith.mulf %dot_general3A_29, %mul3A_30 : vector<10000x32xf32>
    %swap3A = arith.constant 0 : index
    %swap3A_32 = arith.constant 0 : index
    %swap3A_33 = vector.load %arg4[%swap3A, %swap3A_32] : memref<10000x32xf32, #tpu.memory_space<vmem>>, vector<10000x32xf32>
    tpu.vector_store %arg4[%swap3A, %swap3A_32], %mul3A_31 {strides = array<i32>} : memref<10000x32xf32, #tpu.memory_space<vmem>>, vector<10000x32xf32>,
    return
  }
}

module attributes {stable_mosaic.version = 14 : i64} {
  func.func @_tc3_body(%arg0: memref<2x10112x32xf32, #tpu.memory_space<vmem>>, %arg1: memref<32x10112xf32, #tpu.memory_space<vmem>>, %arg2: memref<1x32xf32, #tpu.memory_space<vmem>>, %arg3: memref<10000x32xf32, #tpu.memory_space<vmem>>) attributes {dimension_semantics = [], scalar_prefetch = 0 : i64, scratch_operands = 0 : i64, tpu.core_type = #tpu.core_type<tc>} {
    %get3A = arith.constant 0 : index
    %get3A_0 = arith.constant 0 : index
    %get3A_1 = vector.load %arg1[%get3A, %get3A_0] : memref<32x10112xf32, #tpu.memory_space<vmem>>, vector<32x10112xf32>
    %broadcast_in_dim3A = arith.constant 1.000000e+00 : f32
    %broadcast_in_dim3A_2 = vector.broadcast %broadcast_in_dim3A : f32 to vector<32x1xf32>
    %dot_general3A = arith.constant dense<0.000000e+00> : vector<10112x1xf32>
    %dot_general3A_3 = tpu.matmul %get3A_1, %broadcast_in_dim3A_2, %dot_general3A {dimension_numbers = #tpu.dot_dimension_numbers<[0], [0], [1], [1], [0, 1, 1, 1], [], []>, transpose_lhs_hint = false} : vector<32x10112xf32>, vector<32x1xf32>, vector<10112x1xf32> -> vector<10112x1xf32>
    %slice3A = vector.extract_strided_slice %dot_general3A_3 {offsets = [0, 0], sizes = [10000, 1], strides = [1, 1]} : vector<10112x1xf32> to vector<10000x1xf32>
    %max3A = arith.constant 9.99999996E-13 : f32
    %max3A_4 = vector.broadcast %max3A : f32 to vector<10000x1xf32>
    %max3A_5 = arith.maximumf %slice3A, %max3A_4 : vector<10000x1xf32>
    %rsqrt3A = math.rsqrt %max3A_5 : vector<10000x1xf32>
    %get3A_6 = arith.constant 0 : index
    %get3A_7 = arith.constant 0 : index
    %get3A_8 = arith.constant 0 : index
    %get3A_9 = vector.load %arg0[%get3A_6, %get3A_7, %get3A_8] : memref<2x10112x32xf32, #tpu.memory_space<vmem>>, vector<1x10000x32xf32>
    %get3A_10 = vector.shape_cast %get3A_9 : vector<1x10000x32xf32> to vector<10000x32xf32>
    %get3A_11 = arith.constant 1 : index
    %get3A_12 = arith.constant 0 : index
    %get3A_13 = arith.constant 0 : index
    %get3A_14 = vector.load %arg0[%get3A_11, %get3A_12, %get3A_13] : memref<2x10112x32xf32, #tpu.memory_space<vmem>>, vector<1x10000x32xf32>
    %get3A_15 = vector.shape_cast %get3A_14 : vector<1x10000x32xf32> to vector<10000x32xf32>
    %add3A = arith.addf %get3A_10, %get3A_15 : vector<10000x32xf32>
    %mul3A = vector.broadcast %rsqrt3A : vector<10000x1xf32> to vector<10000x32xf32>
    %mul3A_16 = arith.mulf %mul3A, %add3A : vector<10000x32xf32>
    %get3A_17 = arith.constant 0 : index
    %get3A_18 = arith.constant 0 : index
    %get3A_19 = vector.load %arg2[%get3A_17, %get3A_18] : memref<1x32xf32, #tpu.memory_space<vmem>>, vector<1x32xf32>
    %add3A_20 = vector.broadcast %get3A_19 : vector<1x32xf32> to vector<10000x32xf32>
    %add3A_21 = arith.addf %mul3A_16, %add3A_20 : vector<10000x32xf32>
    %swap3A = arith.constant 0 : index
    %swap3A_22 = arith.constant 0 : index
    %swap3A_23 = vector.load %arg3[%swap3A, %swap3A_22] : memref<10000x32xf32, #tpu.memory_space<vmem>>, vector<10000x32xf32>
    tpu.vector_store %arg3[%swap3A, %swap3A_22], %add3A_21 {strides = array<i32>} : memref<10000x32xf32, #tpu.memory_space<vmem>>, vector<10000x32xf32>,
    return
  }
}

</mosaic_0001>

<sc_bundles>
// kernel: kernel.11.cloned.1.call-start
scs
__scs_entry_jumppad:
0x0: {  	(pc) =	sbr.rel $0x88, $3  }
0x1: {  	(tag) =	ssettag $0x0;
	lr =	simm.s32 $0x1  }
0x2: {  	[smem:$0x3F9B] =	sst lr;
	_ =	strace $0xD0000000  }
0x3: {  	_ = 	snop  }
0x4: {  	_ = 	snop  }
0x5: {  	_ = 	snop  }
0x6: {  	_ = 	snop  }
0x7: {  	_ = 	snop  }
__scs_overlays_trampoline_lowered:
0x8: {  	[smem:$0x3FAA] =	sst s0  }
0x9: {  	[smem:$0x3FAB] =	sst s1  }
0xa: {  	[smem:$0x3FAC] =	sst s2  }
0xb: {  	[smem:$0x3FAD] =	sst s3  }
0xc: {  	[smem:$0x3FAE] =	sst s4  }
0xd: {  	[smem:$0x3FAF] =	sst s5  }
0xe: {  	[smem:$0x3FB0] =	sst s6  }
0xf: {  	[smem:$0x3FB1] =	sst s7  }
0x10: {  	[smem:$0x3FB2] =	sst s8  }
0x11: {  	[smem:$0x3FB3] =	sst s9;
	s0 =	simm.s32 @!p0 $0x0  }
0x12: {  	s1 =	sld [smem:$0x3F99];
	s0 =	simm.s32 @p0 $0x1  }
0x13: {  	[smem:$0x3FB4] =	sst s0;
	s0 =	simm.s32 @!p1 $0x0  }
0x14: {  	s2 =	sld [smem:$0x3F98];
	s0 =	simm.s32 @p1 $0x1  }
0x15: {  	[smem:$0x3FB5] =	sst s0;
	s0 =	simm.s32 @!p2 $0x0  }
0x16: {  	s3 =	sld [smem:$0x3FDB];
	s0 =	simm.s32 @p2 $0x1  }
0x17: {  	s4 =	simm.s32 $0x1BF5;
	[smem:$0x3FB7] =	sst s0  }
0x18: {  	s0 =	sld [smem:$0x3F9A];
	_ =	swait.ge [sflag:s4], $0x0  }
0x19: {  	s7 =	sld [smem:$0x3F9B]  }
0x1a: {  	s8 =	sadd.s32 $0xFFFFE003, lr  }
0x1b: {  	s9 =	sadd.s32 $0xFFFFFEF7, lr;
	s5 =	simm.s32 $0xFFFFFFFF;
	p2 =	slt.u32 s8, $0xFFFFF086  }
0x1c: {  	p1 =	slt.u32 s9, $0xF7A;
	s5 =	simm.s32 @!p2 $0x0  }
0x1d: {  	s5 =	simm.s32 @p1 $0x1;
	p0 =	seq.s32 s7, s2  }
0x1e: {  	s7 =	smul.u32 @!p0 $0xF7A, s2;
	p2 =	seq.s32 @!p0 s5, $0x0  }
0x1f: {  	s9 =	smul.u32 $0xF7A, s1;
	s8 =	simm.s32 @!p0 $0x1BF5;
	p2 =	por !p2, p0  }
0x20: {  	[sflag:s8] =	ssyncset.s32 @!p0 $0xFFFFF086;
	s6 =	sadd.s32 @!p0 s3, s7;
	s7 =	simm.s32 @!p0 $0x108  }
0x21: {  	s3 =	sadd.s32 s3, s9;
	s6 =	sadd.s32 @!p0 $0x88, s6;
	s7 =	simm.s32 @p2 $0x1082  }
0x22: {  	[simem:s7], [sflag:s8] =	dma.local @!p0 [hbm:s6], $0xF7A  }
0x23: {  	s9 =	sor.u32 $0xD0000000, s2;
	s6 =	simm.s32 $0x108;
	_ =	swait.ge @!p0 [sflag:s8], $0x0  }
0x24: {  	s3 =	sadd.s32 $0x88, s3;
	s6 =	simm.s32 @!p1 $0x1082;
	[sflag:s4] =	ssyncset.s32 $0xFFFFF086  }
0x25: {  	[simem:s6], [sflag:s4] =	dma.local [hbm:s3], $0xF7A  }
0x26: {  	[smem:$0x3F9B] =	sst s1;
	(tag) =	ssettag s2;
	_ =	strace s9  }
0x27: {  	s1 =	sld [smem:$0x3FAB]  }
0x28: {  	s2 =	sld [smem:$0x3FAC]  }
0x29: {  	s4 =	sld [smem:$0x3FAE]  }
0x2a: {  	p0 =	seq.s32 s5, $0x0;
	s5 =	sld [smem:$0x3FAF]  }
0x2b: {  	s6 =	sld [smem:$0x3FB0]  }
0x2c: {  	s7 =	sld [smem:$0x3FB1]  }
0x2d: {  	s3 =	simm.s32 $0x108;
	s8 =	sld [smem:$0x3FB2]  }
0x2e: {  	s3 =	simm.s32 @!p0 $0x1082;
	s9 =	sld [smem:$0x3FB3]  }
0x2f: {  	lr =	sadd.s32 s0, s3;
	s0 =	sld [smem:$0x3FAA]  }
0x30: {  	s3 =	sld [smem:$0x3FAD]  }
0x31: {  	[smem:$0x3FB6] =	sst s10  }
0x32: {  	s10 =	sld [smem:$0x3FB4];
	_ =	sdelay $0x3  }
0x33: {  	p0 =	seq.s32 s10, $0x1;
	s10 =	sld [smem:$0x3FB6];
	_ =	sdelay $0x3  }
0x34: {  	[smem:$0x3FB6] =	sst s10  }
0x35: {  	s10 =	sld [smem:$0x3FB5];
	_ =	sdelay $0x3  }
0x36: {  	p1 =	seq.s32 s10, $0x1;
	s10 =	sld [smem:$0x3FB6];
	_ =	sdelay $0x3  }
0x37: {  	[smem:$0x3FB6] =	sst s10  }
0x38: {  	s10 =	sld [smem:$0x3FB7]  }
0x39: {  	_ = 	snop;
	(pc) =	sbr.ind lr, $3  }
0x3a: {  	_ = 	snop  }
0x3b: {  	_ = 	snop  }
0x3c: {  	p2 =	seq.s32 s10, $0x1;
	s10 =	sld [smem:$0x3FB6]  }
0x3d: {  	_ =	shalt  }
0x3e: {  	_ =	shalt  }
0x3f: {  	_ =	shalt  }
0x40: {  	_ =	shalt  }
0x41: {  	_ =	shalt  }
0x42: {  	_ =	shalt  }
0x43: {  	_ =	shalt  }
0x44: {  	_ =	shalt  }
0x45: {  	_ =	shalt  }
0x46: {  	_ =	shalt  }
0x47: {  	_ =	shalt  }
0x48: {  	_ =	shalt  }
0x49: {  	_ =	shalt  }
0x4a: {  	_ =	shalt  }
0x4b: {  	_ =	shalt  }
0x4c: {  	_ =	shalt  }
0x4d: {  	_ =	shalt  }
0x4e: {  	_ =	shalt  }
0x4f: {  	_ =	shalt  }
0x50: {  	_ =	shalt  }
0x51: {  	_ =	shalt  }
0x52: {  	_ =	shalt  }
0x53: {  	_ =	shalt  }
0x54: {  	_ =	shalt  }
0x55: {  	_ =	shalt  }
0x56: {  	_ =	shalt  }
0x57: {  	_ =	shalt  }
0x58: {  	_ =	shalt  }
0x59: {  	_ =	shalt  }
0x5a: {  	_ =	shalt  }
0x5b: {  	_ =	shalt  }
0x5c: {  	_ =	shalt  }
0x5d: {  	_ =	shalt  }
0x5e: {  	_ =	shalt  }
0x5f: {  	_ =	shalt  }
0x60: {  	_ =	shalt  }
0x61: {  	_ =	shalt  }
0x62: {  	_ =	shalt  }
0x63: {  	_ =	shalt  }
0x64: {  	_ =	shalt  }
0x65: {  	_ =	shalt  }
0x66: {  	_ =	shalt  }
0x67: {  	_ =	shalt  }
0x68: {  	_ =	shalt  }
0x69: {  	_ =	shalt  }
0x6a: {  	_ =	shalt  }
0x6b: {  	_ =	shalt  }
0x6c: {  	_ =	shalt  }
0x6d: {  	_ =	shalt  }
0x6e: {  	_ =	shalt  }
0x6f: {  	_ =	shalt  }
0x70: {  	_ =	shalt  }
0x71: {  	_ =	shalt  }
0x72: {  	_ =	shalt  }
0x73: {  	_ =	shalt  }
0x74: {  	_ =	shalt  }
0x75: {  	_ =	shalt  }
0x76: {  	_ =	shalt  }
0x77: {  	_ =	shalt  }
0x78: {  	_ =	shalt  }
0x79: {  	_ =	shalt  }
0x7a: {  	_ =	shalt  }
0x7b: {  	_ =	shalt  }
0x7c: {  	_ =	shalt  }
0x7d: {  	_ =	shalt  }
0x7e: {  	_ =	shalt  }
0x7f: {  	_ =	shalt  }
0x80: {  	_ =	shalt  }
0x81: {  	_ =	shalt  }
0x82: {  	_ =	shalt  }
0x83: {  	_ =	shalt  }
0x84: {  	_ =	shalt  }
0x85: {  	_ =	shalt  }
0x86: {  	_ =	shalt  }
0x87: {  	_ =	shalt  }
.Lfunc_end0:
.L_simem_size_0:
called_computation.1_lowered:
.L_overlay_start_0:
0x88: {  	s2 =	sld [smem:$0x3FD9]  }
0x89: {  	s3 =	sld [smem:$0x3FFE];
	_ =	sdelay $0x1  }
0x8a: {  	s1 =	srdreg.scid  }
0x8b: {  	s0 =	sand.u32 $0x1, s1  }
0x8c: {  	s16 =	sshll.u32 s0, $0xA;
	s2 =	sadd.s32 s3, s2  }
0x8d: {  	s2 =	sadd.s32 s2, s16  }
0x8e: {  	[smem:$0x3FC2] =	sst s2  }
0x8f: {  	_ = 	snop  }
0x90: {  	(tm) =	ssettm $0x1  }
0x91: {  	s17 =	sld [smem:$0x3FFB];
	_ =	sdelay $0x3  }
0x92: {  	_ =	strace s17  }
0x93: {  	s2 =	sld [smem:$0x3FFC];
	_ =	sdelay $0x3  }
0x94: {  	_ =	strace s2  }
0x95: {  	s2 =	sld [smem:$0x3FFD];
	_ =	sdelay $0x3  }
0x96: {  	_ =	strace s2  }
0x97: {  	_ =	strace $0x8FFFFFFF  }
0x98: {  	s18 =	sld [smem:$0x3FDB];
	_ =	sdelay $0x1  }
0x99: {  	s19 =	simm.s32 $_scs_section_size  }
0x9a: {  	s4 =	simm.s32 $_size__tile_overlayer_lowered;
	s5 =	simm.s32 $_tile_overlayer_lowered  }
0x9b: {  	s22 =	simm.s32 $0x1BFF;
	s21 =	sshll.u32 s5, $0x1;
	s2 =	sadd.s32 s19, s18  }
0x9c: {  	s6 =	simm.s32 $0x0;
	s20 =	sshll.u32 s4, $0x1;
	s4 =	sadd.s32 s21, s2  }
0x9d: {  	[timem:s6], [sflag:s22] =	dma.local [hbm:s4], s20  }
0x9e: {  	_ =	swait.ge [sflag:s22], s20  }
0x9f: {  	s3 =	ssub.s32 $0x0, s20;
	[sflag:s22] =	ssyncset.done $0x0  }
0xa0: {  	[sflag:s22] =	ssyncadd.s32 s3;
	_ =	sdelay $0x1  }
0xa1: {  	s23 =	simm.s32 $0x1B8B  }
0xa2: {  	_ =	swait.ge [sflag:s23], $0x1  }
0xa3: {  	[sflag:s23] =	ssyncset.done $0x0  }
0xa4: {  	s25 =	simm.s32 $0x1B8E;
	s24 =	sld [smem:$0x3FFE];
	[sflag:s23] =	ssyncadd.s32 $0xFFFFFFFF  }
0xa5: {  	s26 =	simm.s32 $execute0_lowered;
	[smem:$0x3FD2] =	sst s25  }
0xa6: {  	s4 =	sshll.u32 s26, $0x1;
	_ =	strace $0x80000049;
	[dreg:$0x1] =	wrdreg $0xFFFFFFFF  }
0xa7: {  	s28 =	simm.s32 $_size_execute0_lowered;
	s2 =	sadd.s32 s2, s4;
	[dreg:$0x0] =	wrdreg $0x0  }
0xa8: {  	s4 =	sshll.u32 s28, $0x1;
	[dreg:$0x2] =	wrdreg s2  }
0xa9: {  	[dreg:$0x3] =	wrdreg s4  }
0xaa: {  	[dreg:$0x4] =	wrdreg $0xC0  }
0xab: {  	_ =	task [dreg:s6], $0x5FFFF  }
0xac: {  	[dreg:$0x1] =	wrdreg $0xFFFFFFFF  }
0xad: {  	[dreg:$0x0] =	wrdreg $0x60  }
0xae: {  	[dreg:$0x2] =	wrdreg s24  }
0xaf: {  	[dreg:$0x3] =	wrdreg $0x9E000  }
0xb0: {  	[dreg:$0x4] =	wrdreg $0x0  }
0xb1: {  	[dreg:$0x5] =	wrdreg $0x9  }
0xb2: {  	_ =	task.clear_ibuf [dreg:s6], $0x6FFFF;
	_ =	strace $0x90000049  }
0xb3: {  	s29 =	simm.s32 $0x9;
	_ =	strace $0x8000004B  }
0xb4: {  	_ =	swait.ge [sflag:s29], $0x1  }
0xb5: {  	[sflag:s29] =	ssyncadd.s32 $0xFFFFFFFF  }
0xb6: {  	_ =	strace $0x9000004B  }
0xb7: {  	_ =	sfence  }
0xb8: {  	s30 =	sld [smem:$0x0];
	_ =	sdelay $0x2  }
0xb9: {  	s31 =	sshll.u32 s1, $0xD;
	s1 =	sshrl.u32 s1, $0x2  }
0xba: {  	s3 =	sand.u32 $0x4000, s31;
	s1 =	sadd.s32 s1, s30  }
0xbb: {  	s0 =	sor.u32 s3, s0;
	s1 =	sshll.u32 s1, $0x11  }
0xbc: {  	s0 =	sor.u32 s1, s0  }
0xbd: {  	s0 =	sadd.s32 $0x8F2B, s0  }
0xbe: {  	[sflag:s0] =	ssyncadd.remote.s32 $0x1  }
0xbf: {  	_ =	sfence.sel $0xFFFF  }
0xc0: {  	[dreg:$0x0] =	wrdreg $0xFFFFFFFF;
	(pc) =	sbr.abs _section_cstart, $3  }
0xc1: {  	[dreg:$0x1] =	wrdreg $0xFFFFFFFF  }
0xc2: {  	_ =	task.clear_ibuf [dreg:s6], $0x2FFFF;
	_ =	strace $0x9FFFFFFF  }
0xc3: {  	(tm) =	ssettm $0x7FFFFFFF  }
tec
execute0_lowered:
.L_overlay_start_1:
0x0: {  	(tag) =	ssettag $0x1  }
0x1: {  	s0 =	rddreg [dreg:$0x0]  }
0x2: {  	s2 =	rddreg [dreg:$0x1]  }
0x3: {  	s3 =	rddreg [dreg:$0x2];
	s10 =	stileid.u32  }
0x4: {  	s4 =	srdreg.scid;
	s1 =	smul.u32 $0x9C40, s10  }
0x5: {  	s6 =	simm.s32 $0x0;
	s17 =	simm.s32 $0x13A40;
	s5 =	smul.u32 $0x510, s10  }
0x6: {  	s29 =	simm.s32 $0x1CB40;
	s30 =	simm.s32 $0x3;
	s7 =	smul.u32 $0x9E00, s10  }
0x7: {  	s31 =	simm.s32 $0x6;
	s4 =	sand.u32 $0x1, s4;
	s22 =	smul.u32 $0x27800, s10  }
0x8: {  	s28 =	simm.s32 $0x8;
	[smem:$0x7FF] =	sst s6;
	s18 =	smul.u32 $0x9E000, s4  }
0x9: {  	_ =	strace $0x8000004A;
	p0 =	seq.s32 s4, $0x0;
	s4 =	ssub.s32 $0x2, s4  }
0xa: {  	s8 =	sshrl.u32 s1, $0x3;
	s9 =	sadd.s32 $0x5100, s5;
	s21 =	sshrl.u32 s4, $0x1  }
0xb: {  	s1 =	sadd.s32 s1, s2;
	s25 =	sshrl.u32 s22, $0x2;
	s22 =	simm.s32 $0x1  }
0xc: {  	s8 =	sadd.s32 s8, s0;
	s9 =	smov.u32 @p0 s5;
	s19 =	sadd.s32 s7, s18  }
0xd: {  	s4 =	ssub.s32 s4, s21;
	s7 =	sshll.u32 s10, $0x6;
	s10 =	sadd.s32 s25, s3  }
0xe: {  	s18 =	simm.s32 $0x162C0;
	s21 =	simm.s32 $0x9;
	s25 =	simm.s32 $0x5  }
0xf: {  	s20 =	sadd.s32 s9, s0;
	s5 =	sshrl.u32 s19, $0x3;
	s26 =	sadd.s32 $0x15800, s8  }
0x10: {  	s9 =	sor.u32 $0x1C02, s7;
	s11 =	sadd.s32 $0x2000, s10;
	s12 =	sadd.s32 $0x4000, s10  }
0x11: {  	s13 =	sadd.s32 $0x6000, s10;
	s14 =	sadd.s32 $0x8000, s10;
	s16 =	smax.u32 s4, $0x1  }
0x12: {  	s19 =	sshrl.u32 s1, $0x3;
	s1 =	simm.s32 $0x7;
	s4 =	simm.s32 $0x0  }
0x13: {  	s0 =	sadd.s32 s5, s0;
	s23 =	sadd.s32 $0xB600, s20;
	[dreg:$0x6] =	wrdreg s26  }
0x14: {  	s24 =	sadd.s32 $0x1400, s20;
	s20 =	simm.s32 $0x18B40;
	[dreg:$0x4] =	wrdreg s23  }
0x15: {  	s26 =	simm.s32 $0x1AB40;
	[dreg:$0x5] =	wrdreg s24;
	s15 =	sadd.s32 $0x29200, s0  }
0x16: {  	v0 =	vimm.f32 $0.0e+00;
	s23 =	simm.s32 $0x2;
	s24 =	simm.s32 $0x80;
	s0 =	simm.s32 $0x4  }
.LBB2_1:
0x17: {  	s5 =	simm.s32 $0x0;
	s6 =	rddreg [dreg:$0x4]  }
0x18: {  	[tilespmem:s17], [sflag:$0x1] =	stream.linear.gather [hbm4b:s6+s5], $0x2880, $0x38;
	[tilespmem:$0x1EB40] =	vst v63  }
0x19: {  	s8 =	rddreg [dreg:$0x5]  }
0x1a: {  	[tilespmem:s18], [sflag:$0x1] =	stream.linear.gather [hbm4b:s8+s5], $0x2880, $0x38;
	[tilespmem:$0x1EB40] =	vst v63  }
0x1b: {  	s6 =	simm.s32 $0x100;
	s8 =	rddreg [dreg:$0x6];
	s5 =	simm.s32 $0x0  }
0x1c: {  	[spmem:s19], [sflag:s9] =	dma.local [hbm:s8], $0x1388  }
.LBB2_2:
0x1d: {  	p0 =	sne.s32 s6, $0x7F00;
	[tilespmem:s5+$0x18B70] =	vst v0;
	s8 =	smov.u32 s6;
	s6 =	sadd.s32 $0x100, s6  }
.Ltmp0:
0x1e: {  	[tilespmem:s5+$0x18B60] =	vst v0;
	(pc) =	sbr.rel @p0 .LBB2_2-.Ltmp0, $3  }
0x1f: {  	[tilespmem:s5+$0x18B40] =	vst v0  }
0x20: {  	[tilespmem:s5+$0x18B50] =	vst v0;
	_ =	sdelay $0x1  }
0x21: {  	s5 =	sshra.s32 s8, $0x2  }
0x22: {  	[tilespmem:s5+$0x18B70] =	vst v0  }
0x23: {  	[tilespmem:s5+$0x18B60] =	vst v0  }
0x24: {  	[tilespmem:s5+$0x18B40] =	vst v0  }
0x25: {  	[tilespmem:s5+$0x18B50] =	vst v0  }
0x26: {  	[spmem:s10] =	stream.linear.scatter [tilespmem:s20], [sflag:$0x9], $0x2000, $0x38;
	[tilespmem:$0x1EB40] =	vst v63  }
0x27: {  	_ =	swait.ge [sflag:s21], $0x2000  }
0x28: {  	[sflag:s21] =	ssyncset.done $0x0  }
0x29: {  	[sflag:s21] =	ssyncadd.s32 $0xFFFFE000  }
0x2a: {  	[spmem:s11] =	stream.linear.scatter [tilespmem:s20], [sflag:$0x9], $0x2000, $0x38;
	[tilespmem:$0x1EB40] =	vst v63  }
0x2b: {  	_ =	swait.ge [sflag:s21], $0x2000  }
0x2c: {  	[sflag:s21] =	ssyncset.done $0x0  }
0x2d: {  	[sflag:s21] =	ssyncadd.s32 $0xFFFFE000  }
0x2e: {  	[spmem:s12] =	stream.linear.scatter [tilespmem:s20], [sflag:$0x9], $0x2000, $0x38;
	[tilespmem:$0x1EB40] =	vst v63  }
0x2f: {  	_ =	swait.ge [sflag:s21], $0x2000  }
0x30: {  	[sflag:s21] =	ssyncset.done $0x0  }
0x31: {  	[sflag:s21] =	ssyncadd.s32 $0xFFFFE000  }
0x32: {  	[spmem:s13] =	stream.linear.scatter [tilespmem:s20], [sflag:$0x9], $0x2000, $0x38;
	[tilespmem:$0x1EB40] =	vst v63  }
0x33: {  	_ =	swait.ge [sflag:s21], $0x2000  }
0x34: {  	[sflag:s21] =	ssyncset.done $0x0  }
0x35: {  	[sflag:s21] =	ssyncadd.s32 $0xFFFFE000  }
0x36: {  	[spmem:s14] =	stream.linear.scatter [tilespmem:s20], [sflag:$0x9], $0x1E00, $0x38;
	[tilespmem:$0x1EB40] =	vst v63  }
0x37: {  	_ =	swait.ge [sflag:s21], $0x1E00  }
0x38: {  	[sflag:s21] =	ssyncset.done $0x0  }
0x39: {  	[sflag:s21] =	ssyncadd.s32 $0xFFFFE200  }
0x3a: {  	_ =	swait.ge [sflag:s22], $0x2880  }
0x3b: {  	[sflag:s22] =	ssyncset.done $0x0  }
0x3c: {  	[sflag:s22] =	ssyncadd.s32 $0xFFFFD780  }
0x3d: {  	_ =	swait.ge [sflag:s22], $0x2880  }
0x3e: {  	[sflag:s22] =	ssyncset.done $0x0  }
0x3f: {  	[sflag:s22] =	ssyncadd.s32 $0xFFFFD780  }
0x40: {  	_ =	swait.ge [sflag:s23], $0x1388  }
0x41: {  	[sflag:s23] =	ssyncset.done $0x0  }
0x42: {  	[sflag:s23] =	ssyncadd.s32 $0xFFFFEC78  }
0x43: {  	[bflag:$0x0] =	sbarrier.arrive $0xFFFF  }
0x44: {  	[tilespmem:s20], [sflag:$0x3] =	stream.indirect.gather [spmem:s2], $0x40, s17, s24, $0xb8;
	[tilespmem:$0x1EB40] =	vst v63  }
0x45: {  	s8 =	simm.s32 $0x13AC0  }
0x46: {  	[tilespmem:s26], [sflag:$0x4] =	stream.indirect.gather [spmem:s2], $0x40, s8, s24, $0xb8;
	[tilespmem:$0x1EB40] =	vst v63  }
0x47: {  	s6 =	simm.s32 $0x13B40  }
0x48: {  	[tilespmem:s29], [sflag:$0x5] =	stream.indirect.gather [spmem:s2], $0x40, s6, s24, $0xb8;
	[tilespmem:$0x1EB40] =	vst v63  }
0x49: {  	_ =	swait.ge [sflag:s30], $0x2000  }
0x4a: {  	[sflag:s30] =	ssyncset.done $0x0  }
0x4b: {  	[sflag:s30] =	ssyncadd.s32 $0xFFFFE000  }
0x4c: {  	[spmem:s3] =	stream.indirect.scatter.add.f32 [tilespmem:s20], [sflag:$0x6], $0x40, s18, s24, $0xb8;
	[tilespmem:$0x1EB40] =	vst v63  }
0x4d: {  	_ =	swait.ge [sflag:s31], $0x2000  }
0x4e: {  	[sflag:s31] =	ssyncset.done $0x0  }
0x4f: {  	s8 =	simm.s32 $0x13BC0;
	[sflag:s31] =	ssyncadd.s32 $0xFFFFE000  }
0x50: {  	[tilespmem:s20], [sflag:$0x3] =	stream.indirect.gather [spmem:s2], $0x40, s8, s24, $0xb8;
	[tilespmem:$0x1EB40] =	vst v63  }
0x51: {  	_ =	swait.ge [sflag:s0], $0x2000  }
0x52: {  	[sflag:s0] =	ssyncset.done $0x0  }
0x53: {  	s6 =	simm.s32 $0x16340;
	[sflag:s0] =	ssyncadd.s32 $0xFFFFE000  }
0x54: {  	[spmem:s3] =	stream.indirect.scatter.add.f32 [tilespmem:s26], [sflag:$0x7], $0x40, s6, s24, $0xb8;
	[tilespmem:$0x1EB40] =	vst v63  }
0x55: {  	_ =	swait.ge [sflag:s1], $0x2000  }
0x56: {  	[sflag:s1] =	ssyncset.done $0x0  }
0x57: {  	s8 =	simm.s32 $0x13C40;
	[sflag:s1] =	ssyncadd.s32 $0xFFFFE000  }
0x58: {  	[tilespmem:s26], [sflag:$0x4] =	stream.indirect.gather [spmem:s2], $0x40, s8, s24, $0xb8;
	[tilespmem:$0x1EB40] =	vst v63  }
0x59: {  	_ =	swait.ge [sflag:s25], $0x2000  }
0x5a: {  	[sflag:s25] =	ssyncset.done $0x0  }
0x5b: {  	s6 =	simm.s32 $0x163C0;
	[sflag:s25] =	ssyncadd.s32 $0xFFFFE000  }
0x5c: {  	[spmem:s3] =	stream.indirect.scatter.add.f32 [tilespmem:s29], [sflag:$0x8], $0x40, s6, s24, $0xb8;
	[tilespmem:$0x1EB40] =	vst v63  }
0x5d: {  	_ =	swait.ge [sflag:s28], $0x2000  }
0x5e: {  	[sflag:s28] =	ssyncset.done $0x0  }
0x5f: {  	s8 =	simm.s32 $0x13CC0;
	[sflag:s28] =	ssyncadd.s32 $0xFFFFE000  }
0x60: {  	[tilespmem:s29], [sflag:$0x5] =	stream.indirect.gather [spmem:s2], $0x40, s8, s24, $0xb8;
	[tilespmem:$0x1EB40] =	vst v63  }
0x61: {  	_ =	swait.ge [sflag:s30], $0x2000  }
0x62: {  	[sflag:s30] =	ssyncset.done $0x0  }
0x63: {  	s5 =	simm.s32 $0x600;
	s6 =	simm.s32 $0x16440;
	[sflag:s30] =	ssyncadd.s32 $0xFFFFE000  }
.LBB2_4:
0x64: {  	[spmem:s3] =	stream.indirect.scatter.add.f32 [tilespmem:s20], [sflag:$0x6], $0x40, s6, s24, $0xb8;
	[tilespmem:$0x1EB40] =	vst v63  }
0x65: {  	s6 =	smov.u32 s5  }
0x66: {  	p0 =	sne.s32 s5, $0x9600;
	s5 =	sadd.s32 $0x600, s5;
	_ =	swait.ge [sflag:s31], $0x2000  }
0x67: {  	s6 =	sshra.s32 s6, $0x2;
	[sflag:s31] =	ssyncset.done $0x0  }
0x68: {  	s8 =	sadd.s32 $0x13BC0, s6;
	[sflag:s31] =	ssyncadd.s32 $0xFFFFE000  }
0x69: {  	[tilespmem:s20], [sflag:$0x3] =	stream.indirect.gather [spmem:s2], $0x40, s8, s24, $0xb8;
	[tilespmem:$0x1EB40] =	vst v63  }
0x6a: {  	_ =	swait.ge [sflag:s0], $0x2000  }
0x6b: {  	[sflag:s0] =	ssyncset.done $0x0  }
0x6c: {  	s8 =	sadd.s32 $0x16340, s6;
	[sflag:s0] =	ssyncadd.s32 $0xFFFFE000  }
0x6d: {  	[spmem:s3] =	stream.indirect.scatter.add.f32 [tilespmem:s26], [sflag:$0x7], $0x40, s8, s24, $0xb8;
	[tilespmem:$0x1EB40] =	vst v63  }
0x6e: {  	_ =	swait.ge [sflag:s1], $0x2000  }
0x6f: {  	[sflag:s1] =	ssyncset.done $0x0  }
0x70: {  	s8 =	sadd.s32 $0x13C40, s6;
	[sflag:s1] =	ssyncadd.s32 $0xFFFFE000  }
0x71: {  	[tilespmem:s26], [sflag:$0x4] =	stream.indirect.gather [spmem:s2], $0x40, s8, s24, $0xb8;
	[tilespmem:$0x1EB40] =	vst v63  }
0x72: {  	_ =	swait.ge [sflag:s25], $0x2000  }
0x73: {  	[sflag:s25] =	ssyncset.done $0x0  }
0x74: {  	s8 =	sadd.s32 $0x163C0, s6;
	[sflag:s25] =	ssyncadd.s32 $0xFFFFE000  }
0x75: {  	[spmem:s3] =	stream.indirect.scatter.add.f32 [tilespmem:s29], [sflag:$0x8], $0x40, s8, s24, $0xb8;
	[tilespmem:$0x1EB40] =	vst v63  }
0x76: {  	_ =	swait.ge [sflag:s28], $0x2000  }
0x77: {  	[sflag:s28] =	ssyncset.done $0x0  }
.Ltmp1:
0x78: {  	s8 =	sadd.s32 $0x13CC0, s6;
	[sflag:s28] =	ssyncadd.s32 $0xFFFFE000;
	(pc) =	sbr.rel @p0 .LBB2_4-.Ltmp1, $4  }
0x79: {  	[tilespmem:s29], [sflag:$0x5] =	stream.indirect.gather [spmem:s2], $0x40, s8, s24, $0xb8;
	[tilespmem:$0x1EB40] =	vst v63  }
0x7a: {  	_ =	swait.ge [sflag:s30], $0x2000  }
0x7b: {  	[sflag:s30] =	ssyncset.done $0x0  }
0x7c: {  	s6 =	sadd.s32 $0x16440, s6;
	[sflag:s30] =	ssyncadd.s32 $0xFFFFE000  }
0x7d: {  	[spmem:s3] =	stream.indirect.scatter.add.f32 [tilespmem:s20], [sflag:$0x6], $0x40, s6, s24, $0xb8;
	[tilespmem:$0x1EB40] =	vst v63  }
0x7e: {  	_ =	swait.ge [sflag:s0], $0x2000  }
0x7f: {  	[sflag:s0] =	ssyncset.done $0x0  }
0x80: {  	s5 =	simm.s32 $0x18A40;
	[sflag:s0] =	ssyncadd.s32 $0xFFFFE000  }
0x81: {  	[spmem:s3] =	stream.indirect.scatter.add.f32 [tilespmem:s26], [sflag:$0x7], $0x40, s5, s24, $0xb8;
	[tilespmem:$0x1EB40] =	vst v63  }
0x82: {  	_ =	swait.ge [sflag:s25], $0x2000  }
0x83: {  	[sflag:s25] =	ssyncset.done $0x0  }
0x84: {  	s8 =	simm.s32 $0x18AC0;
	[sflag:s25] =	ssyncadd.s32 $0xFFFFE000  }
0x85: {  	[spmem:s3] =	stream.indirect.scatter.add.f32 [tilespmem:s29], [sflag:$0x8], $0x40, s8, s24, $0xb8;
	[tilespmem:$0x1EB40] =	vst v63  }
0x86: {  	_ =	swait.ge [sflag:s31], $0x2000  }
0x87: {  	[sflag:s31] =	ssyncset.done $0x0  }
0x88: {  	[sflag:s31] =	ssyncadd.s32 $0xFFFFE000  }
0x89: {  	_ =	swait.ge [sflag:s1], $0x2000  }
0x8a: {  	[sflag:s1] =	ssyncset.done $0x0  }
0x8b: {  	[sflag:s1] =	ssyncadd.s32 $0xFFFFE000  }
0x8c: {  	_ =	swait.ge [sflag:s28], $0x2000  }
0x8d: {  	s4 =	sadd.s32 $0x1, s4;
	[sflag:s28] =	ssyncset.done $0x0  }
0x8e: {  	s6 =	sor.u32 $0x1C09, s7;
	p0 =	sne.s32 s4, s16;
	[sflag:s28] =	ssyncadd.s32 $0xFFFFE000  }
.Ltmp2:
0x8f: {  	s8 =	sshrl.u32 s10, $0x3;
	[bflag:$0x0] =	sbarrier.arrive $0xFFFF;
	(pc) =	sbr.rel @p0 .LBB2_1-.Ltmp2, $4  }
0x90: {  	[hbm:s15], [sflag:s6] =	dma.local [spmem:s8], $0x13C0  }
0x91: {  	_ =	swait.ge [sflag:s21], $0x13C0  }
0x92: {  	[sflag:s21] =	ssyncset.done $0x0  }
0x93: {  	[sflag:s21] =	ssyncadd.s32 $0xFFFFEC40  }
0x94: {  	_ =	sfence.sel $0x180000  }
0x95: {  	[bflag:$0x0] =	sbarrier.arrive $0xFFFF  }
0x96: {  	_ =	strace $0x9000004A  }
0x97: {  	s0 =	stileid.u32;
	[bflag:$0x2] =	sbarrier.arrive $0xFFFF  }
0x98: {  	p0 =	sne.s32 s0, $0x0;
	s0 =	rddreg [dreg:$0x3]  }
0x99: {  	s0 =	sadd.s32 @!p0 $0x100000, s0  }
0x9a: {  	[sflag:s0] =	ssyncadd.tile.s32 @!p0 $0x1;
	_ =	shalt  }
.Lfunc_end2:
_tile_overlayer_lowered:
.L_overlay_start_2:
0x9b: {  	(tag) =	ssettag $0x2  }
0x9c: {  	s0 =	rddreg [dreg:$0x0];
	s2 =	stileid.u32  }
0x9d: {  	s1 =	rddreg [dreg:$0x1];
	p0 =	sne.s32 s2, $0x0  }
0x9e: {  	s3 =	rddreg [dreg:$0x2];
	[bflag:$0x3] =	sbarrier.arrive $0xFFFF;
	s2 =	simm.s32 @!p0 $0x1C09  }
0x9f: {  	[timem:s3], [sflag:s2] =	dma.local @!p0 [hbm:s0], s1  }
0xa0: {  	s0 =	simm.s32 @!p0 $0x9  }
0xa1: {  	_ =	swait.ge @!p0 [sflag:s0], s1  }
0xa2: {  	s1 =	ssub.s32 @!p0 $0x0, s1;
	[sflag:s0] =	ssyncset.done @!p0 $0x0  }
0xa3: {  	[sflag:s0] =	ssyncadd.s32 @!p0 s1  }
0xa4: {  	[bflag:$0x3] =	sbarrier.arrive $0xFFFF  }
0xa5: {  	_ =	shalt  }

// kernel: kernel.14.cloned.1.call-start
scs
__scs_entry_jumppad:
0x0: {  	(pc) =	sbr.rel $0x88, $3  }
0x1: {  	(tag) =	ssettag $0x0;
	lr =	simm.s32 $0x1  }
0x2: {  	[smem:$0x3F9B] =	sst lr;
	_ =	strace $0xD0000000  }
0x3: {  	_ = 	snop  }
0x4: {  	_ = 	snop  }
0x5: {  	_ = 	snop  }
0x6: {  	_ = 	snop  }
0x7: {  	_ = 	snop  }
__scs_overlays_trampoline_lowered:
0x8: {  	[smem:$0x3FAA] =	sst s0  }
0x9: {  	[smem:$0x3FAB] =	sst s1  }
0xa: {  	[smem:$0x3FAC] =	sst s2  }
0xb: {  	[smem:$0x3FAD] =	sst s3  }
0xc: {  	[smem:$0x3FAE] =	sst s4  }
0xd: {  	[smem:$0x3FAF] =	sst s5  }
0xe: {  	[smem:$0x3FB0] =	sst s6  }
0xf: {  	[smem:$0x3FB1] =	sst s7  }
0x10: {  	[smem:$0x3FB2] =	sst s8  }
0x11: {  	[smem:$0x3FB3] =	sst s9;
	s0 =	simm.s32 @!p0 $0x0  }
0x12: {  	s1 =	sld [smem:$0x3F99];
	s0 =	simm.s32 @p0 $0x1  }
0x13: {  	[smem:$0x3FB4] =	sst s0;
	s0 =	simm.s32 @!p1 $0x0  }
0x14: {  	s2 =	sld [smem:$0x3F98];
	s0 =	simm.s32 @p1 $0x1  }
0x15: {  	[smem:$0x3FB5] =	sst s0;
	s0 =	simm.s32 @!p2 $0x0  }
0x16: {  	s3 =	sld [smem:$0x3FDB];
	s0 =	simm.s32 @p2 $0x1  }
0x17: {  	s4 =	simm.s32 $0x1BF5;
	[smem:$0x3FB7] =	sst s0  }
0x18: {  	s0 =	sld [smem:$0x3F9A];
	_ =	swait.ge [sflag:s4], $0x0  }
0x19: {  	s7 =	sld [smem:$0x3F9B]  }
0x1a: {  	s8 =	sadd.s32 $0xFFFFE003, lr  }
0x1b: {  	s9 =	sadd.s32 $0xFFFFFEF7, lr;
	s5 =	simm.s32 $0xFFFFFFFF;
	p2 =	slt.u32 s8, $0xFFFFF086  }
0x1c: {  	p1 =	slt.u32 s9, $0xF7A;
	s5 =	simm.s32 @!p2 $0x0  }
0x1d: {  	s5 =	simm.s32 @p1 $0x1;
	p0 =	seq.s32 s7, s2  }
0x1e: {  	s7 =	smul.u32 @!p0 $0xF7A, s2;
	p2 =	seq.s32 @!p0 s5, $0x0  }
0x1f: {  	s9 =	smul.u32 $0xF7A, s1;
	s8 =	simm.s32 @!p0 $0x1BF5;
	p2 =	por !p2, p0  }
0x20: {  	[sflag:s8] =	ssyncset.s32 @!p0 $0xFFFFF086;
	s6 =	sadd.s32 @!p0 s3, s7;
	s7 =	simm.s32 @!p0 $0x108  }
0x21: {  	s3 =	sadd.s32 s3, s9;
	s6 =	sadd.s32 @!p0 $0x88, s6;
	s7 =	simm.s32 @p2 $0x1082  }
0x22: {  	[simem:s7], [sflag:s8] =	dma.local @!p0 [hbm:s6], $0xF7A  }
0x23: {  	s9 =	sor.u32 $0xD0000000, s2;
	s6 =	simm.s32 $0x108;
	_ =	swait.ge @!p0 [sflag:s8], $0x0  }
0x24: {  	s3 =	sadd.s32 $0x88, s3;
	s6 =	simm.s32 @!p1 $0x1082;
	[sflag:s4] =	ssyncset.s32 $0xFFFFF086  }
0x25: {  	[simem:s6], [sflag:s4] =	dma.local [hbm:s3], $0xF7A  }
0x26: {  	[smem:$0x3F9B] =	sst s1;
	(tag) =	ssettag s2;
	_ =	strace s9  }
0x27: {  	s1 =	sld [smem:$0x3FAB]  }
0x28: {  	s2 =	sld [smem:$0x3FAC]  }
0x29: {  	s4 =	sld [smem:$0x3FAE]  }
0x2a: {  	p0 =	seq.s32 s5, $0x0;
	s5 =	sld [smem:$0x3FAF]  }
0x2b: {  	s6 =	sld [smem:$0x3FB0]  }
0x2c: {  	s7 =	sld [smem:$0x3FB1]  }
0x2d: {  	s3 =	simm.s32 $0x108;
	s8 =	sld [smem:$0x3FB2]  }
0x2e: {  	s3 =	simm.s32 @!p0 $0x1082;
	s9 =	sld [smem:$0x3FB3]  }
0x2f: {  	lr =	sadd.s32 s0, s3;
	s0 =	sld [smem:$0x3FAA]  }
0x30: {  	s3 =	sld [smem:$0x3FAD]  }
0x31: {  	[smem:$0x3FB6] =	sst s10  }
0x32: {  	s10 =	sld [smem:$0x3FB4];
	_ =	sdelay $0x3  }
0x33: {  	p0 =	seq.s32 s10, $0x1;
	s10 =	sld [smem:$0x3FB6];
	_ =	sdelay $0x3  }
0x34: {  	[smem:$0x3FB6] =	sst s10  }
0x35: {  	s10 =	sld [smem:$0x3FB5];
	_ =	sdelay $0x3  }
0x36: {  	p1 =	seq.s32 s10, $0x1;
	s10 =	sld [smem:$0x3FB6];
	_ =	sdelay $0x3  }
0x37: {  	[smem:$0x3FB6] =	sst s10  }
0x38: {  	s10 =	sld [smem:$0x3FB7]  }
0x39: {  	_ = 	snop;
	(pc) =	sbr.ind lr, $3  }
0x3a: {  	_ = 	snop  }
0x3b: {  	_ = 	snop  }
0x3c: {  	p2 =	seq.s32 s10, $0x1;
	s10 =	sld [smem:$0x3FB6]  }
0x3d: {  	_ =	shalt  }
0x3e: {  	_ =	shalt  }
0x3f: {  	_ =	shalt  }
0x40: {  	_ =	shalt  }
0x41: {  	_ =	shalt  }
0x42: {  	_ =	shalt  }
0x43: {  	_ =	shalt  }
0x44: {  	_ =	shalt  }
0x45: {  	_ =	shalt  }
0x46: {  	_ =	shalt  }
0x47: {  	_ =	shalt  }
0x48: {  	_ =	shalt  }
0x49: {  	_ =	shalt  }
0x4a: {  	_ =	shalt  }
0x4b: {  	_ =	shalt  }
0x4c: {  	_ =	shalt  }
0x4d: {  	_ =	shalt  }
0x4e: {  	_ =	shalt  }
0x4f: {  	_ =	shalt  }
0x50: {  	_ =	shalt  }
0x51: {  	_ =	shalt  }
0x52: {  	_ =	shalt  }
0x53: {  	_ =	shalt  }
0x54: {  	_ =	shalt  }
0x55: {  	_ =	shalt  }
0x56: {  	_ =	shalt  }
0x57: {  	_ =	shalt  }
0x58: {  	_ =	shalt  }
0x59: {  	_ =	shalt  }
0x5a: {  	_ =	shalt  }
0x5b: {  	_ =	shalt  }
0x5c: {  	_ =	shalt  }
0x5d: {  	_ =	shalt  }
0x5e: {  	_ =	shalt  }
0x5f: {  	_ =	shalt  }
0x60: {  	_ =	shalt  }
0x61: {  	_ =	shalt  }
0x62: {  	_ =	shalt  }
0x63: {  	_ =	shalt  }
0x64: {  	_ =	shalt  }
0x65: {  	_ =	shalt  }
0x66: {  	_ =	shalt  }
0x67: {  	_ =	shalt  }
0x68: {  	_ =	shalt  }
0x69: {  	_ =	shalt  }
0x6a: {  	_ =	shalt  }
0x6b: {  	_ =	shalt  }
0x6c: {  	_ =	shalt  }
0x6d: {  	_ =	shalt  }
0x6e: {  	_ =	shalt  }
0x6f: {  	_ =	shalt  }
0x70: {  	_ =	shalt  }
0x71: {  	_ =	shalt  }
0x72: {  	_ =	shalt  }
0x73: {  	_ =	shalt  }
0x74: {  	_ =	shalt  }
0x75: {  	_ =	shalt  }
0x76: {  	_ =	shalt  }
0x77: {  	_ =	shalt  }
0x78: {  	_ =	shalt  }
0x79: {  	_ =	shalt  }
0x7a: {  	_ =	shalt  }
0x7b: {  	_ =	shalt  }
0x7c: {  	_ =	shalt  }
0x7d: {  	_ =	shalt  }
0x7e: {  	_ =	shalt  }
0x7f: {  	_ =	shalt  }
0x80: {  	_ =	shalt  }
0x81: {  	_ =	shalt  }
0x82: {  	_ =	shalt  }
0x83: {  	_ =	shalt  }
0x84: {  	_ =	shalt  }
0x85: {  	_ =	shalt  }
0x86: {  	_ =	shalt  }
0x87: {  	_ =	shalt  }
.Lfunc_end0:
.L_simem_size_0:
called_computation.2_lowered:
.L_overlay_start_0:
0x88: {  	s2 =	sld [smem:$0x3FD9]  }
0x89: {  	s3 =	sld [smem:$0x3FFE];
	_ =	sdelay $0x1  }
0x8a: {  	s1 =	srdreg.scid  }
0x8b: {  	s0 =	sand.u32 $0x1, s1  }
0x8c: {  	s17 =	sshll.u32 s0, $0xA;
	s2 =	sadd.s32 s3, s2  }
0x8d: {  	s2 =	sadd.s32 s2, s17  }
0x8e: {  	[smem:$0x3FC2] =	sst s2  }
0x8f: {  	_ = 	snop  }
0x90: {  	s2 =	sld [smem:$0x3FD0];
	(tm) =	ssettm $0x1  }
0x91: {  	s18 =	sld [smem:$0x3FFB];
	_ =	sdelay $0x3  }
0x92: {  	_ =	strace s18  }
0x93: {  	s3 =	sld [smem:$0x3FFC];
	_ =	sdelay $0x3  }
0x94: {  	_ =	strace s3  }
0x95: {  	s3 =	sld [smem:$0x3FFD];
	_ =	sdelay $0x3  }
0x96: {  	_ =	strace s3  }
0x97: {  	_ =	strace $0x8FFFFFFF  }
0x98: {  	s19 =	sld [smem:$0x3FDB];
	_ =	sdelay $0x1  }
0x99: {  	s4 =	simm.s32 $_scs_section_size  }
0x9a: {  	s5 =	simm.s32 $_size__tile_overlayer_lowered;
	s6 =	simm.s32 $_tile_overlayer_lowered  }
0x9b: {  	s22 =	simm.s32 $0x1BFF;
	s21 =	sshll.u32 s6, $0x1;
	s3 =	sadd.s32 s4, s19  }
0x9c: {  	s7 =	simm.s32 $0x0;
	s20 =	sshll.u32 s5, $0x1;
	s5 =	sadd.s32 s21, s3  }
0x9d: {  	[timem:s7], [sflag:s22] =	dma.local [hbm:s5], s20  }
0x9e: {  	_ =	swait.ge [sflag:s22], s20  }
0x9f: {  	s4 =	ssub.s32 $0x0, s20;
	[sflag:s22] =	ssyncset.done $0x0  }
0xa0: {  	[sflag:s22] =	ssyncadd.s32 s4;
	_ =	sdelay $0x1  }
0xa1: {  	s23 =	simm.s32 $0x1B8B  }
0xa2: {  	_ =	swait.ge [sflag:s23], $0x1  }
0xa3: {  	[sflag:s23] =	ssyncset.done $0x0  }
0xa4: {  	s25 =	simm.s32 $0x1B8E;
	s24 =	sld [smem:$0x3FFE];
	[sflag:s23] =	ssyncadd.s32 $0xFFFFFFFF  }
0xa5: {  	s26 =	simm.s32 $execute0_lowered;
	[smem:$0x3FD2] =	sst s25  }
0xa6: {  	s5 =	sshll.u32 s26, $0x1;
	_ =	strace $0x8000004C;
	[dreg:$0x1] =	wrdreg $0xFFFFFFFF  }
0xa7: {  	s28 =	simm.s32 $_size_execute0_lowered;
	s3 =	sadd.s32 s3, s5;
	[dreg:$0x0] =	wrdreg $0x0  }
0xa8: {  	s5 =	sshll.u32 s28, $0x1;
	[dreg:$0x2] =	wrdreg s3  }
0xa9: {  	[dreg:$0x3] =	wrdreg s5  }
0xaa: {  	[dreg:$0x4] =	wrdreg $0xC0  }
0xab: {  	_ =	task [dreg:s7], $0x5FFFF  }
0xac: {  	[dreg:$0x1] =	wrdreg $0xFFFFFFFF  }
0xad: {  	[dreg:$0x0] =	wrdreg $0x60  }
0xae: {  	[dreg:$0x2] =	wrdreg s2  }
0xaf: {  	[dreg:$0x3] =	wrdreg s24  }
0xb0: {  	[dreg:$0x4] =	wrdreg $0x4F000  }
0xb1: {  	[dreg:$0x5] =	wrdreg $0x0  }
0xb2: {  	[dreg:$0x6] =	wrdreg $0x9  }
0xb3: {  	_ =	task.clear_ibuf [dreg:s7], $0x7FFFF;
	_ =	strace $0x9000004C  }
0xb4: {  	s29 =	simm.s32 $0x9;
	_ =	strace $0x8000004E  }
0xb5: {  	_ =	swait.ge [sflag:s29], $0x1  }
0xb6: {  	[sflag:s29] =	ssyncadd.s32 $0xFFFFFFFF  }
0xb7: {  	_ =	strace $0x9000004E  }
0xb8: {  	_ =	sfence  }
0xb9: {  	s30 =	sld [smem:$0x0];
	_ =	sdelay $0x2  }
0xba: {  	s31 =	sshll.u32 s1, $0xD;
	s1 =	sshrl.u32 s1, $0x2  }
0xbb: {  	s3 =	sand.u32 $0x4000, s31;
	s1 =	sadd.s32 s1, s30  }
0xbc: {  	s0 =	sor.u32 s3, s0;
	s1 =	sshll.u32 s1, $0x11  }
0xbd: {  	s0 =	sor.u32 s1, s0  }
0xbe: {  	s0 =	sadd.s32 $0x8F2B, s0  }
0xbf: {  	[sflag:s0] =	ssyncadd.remote.s32 $0x1  }
0xc0: {  	_ =	sfence.sel $0xFFFF  }
0xc1: {  	[dreg:$0x0] =	wrdreg $0xFFFFFFFF;
	(pc) =	sbr.abs _section_cstart, $3  }
0xc2: {  	[dreg:$0x1] =	wrdreg $0xFFFFFFFF  }
0xc3: {  	_ =	task.clear_ibuf [dreg:s7], $0x2FFFF;
	_ =	strace $0x9FFFFFFF  }
0xc4: {  	(tm) =	ssettm $0x7FFFFFFF  }
0xc5: {  	_ =	shalt  }
tec
execute0_lowered:
.L_overlay_start_1:
0x0: {  	(tag) =	ssettag $0x1  }
0x1: {  	s0 =	rddreg [dreg:$0x0]  }
0x2: {  	s1 =	rddreg [dreg:$0x1]  }
0x3: {  	s2 =	rddreg [dreg:$0x2]  }
0x4: {  	s3 =	rddreg [dreg:$0x3]  }
0x5: {  	s4 =	srdreg.scid;
	s9 =	stileid.u32  }
0x6: {  	s6 =	simm.s32 $0x0;
	s17 =	simm.s32 $0x9D20;
	s5 =	smul.u32 $0x510, s9  }
0x7: {  	s18 =	simm.s32 $0xC5A0;
	s20 =	simm.s32 $0xEE20;
	s8 =	smul.u32 $0x4F00, s9  }
0x8: {  	s29 =	simm.s32 $0x10E20;
	s30 =	simm.s32 $0x3;
	s23 =	smul.u32 $0x4E20, s9  }
0x9: {  	s31 =	simm.s32 $0x6;
	s4 =	sand.u32 $0x1, s4;
	s24 =	smul.u32 $0x13C00, s9  }
0xa: {  	s28 =	simm.s32 $0x8;
	[smem:$0x7FF] =	sst s6;
	s21 =	smul.u32 $0x4F000, s4  }
0xb: {  	p0 =	seq.s32 s4, $0x0;
	_ =	strace $0x8000004D;
	s4 =	ssub.s32 $0x2, s4  }
0xc: {  	s7 =	sadd.s32 $0x5100, s5;
	s22 =	sshrl.u32 s4, $0x1;
	s26 =	sadd.s32 s23, s2  }
0xd: {  	s7 =	smov.u32 @p0 s5;
	s6 =	sadd.s32 s8, s21;
	s4 =	ssub.s32 s4, s22  }
0xe: {  	s8 =	sshrl.u32 s23, $0x3;
	s19 =	sshrl.u32 s26, $0x3;
	s21 =	simm.s32 $0x9  }
0xf: {  	s22 =	simm.s32 $0x1;
	s23 =	simm.s32 $0x2;
	s26 =	simm.s32 $0xFE20  }
0x10: {  	s5 =	sadd.s32 s7, s1;
	s6 =	sshrl.u32 s6, $0x3;
	s7 =	sshll.u32 s9, $0x6  }
0x11: {  	s0 =	sadd.s32 s0, s8;
	s16 =	smax.u32 s4, $0x1;
	s4 =	simm.s32 $0x0  }
0x12: {  	s1 =	sadd.s32 s6, s1;
	s25 =	sadd.s32 $0xB600, s5;
	s5 =	sadd.s32 $0x1400, s5  }
0x13: {  	s6 =	sshrl.u32 s24, $0x2;
	[dreg:$0x7] =	wrdreg s0;
	s9 =	sor.u32 $0x1C02, s7  }
0x14: {  	s24 =	simm.s32 $0x80;
	s0 =	simm.s32 $0x4;
	[dreg:$0x5] =	wrdreg s25  }
0x15: {  	[dreg:$0x6] =	wrdreg s5;
	s10 =	sadd.s32 s6, s3;
	s15 =	sadd.s32 $0x15800, s1  }
0x16: {  	s1 =	simm.s32 $0x7;
	s25 =	simm.s32 $0x5;
	s11 =	sadd.s32 $0x1000, s10  }
0x17: {  	v0 =	vimm.f32 $0.0e+00;
	s12 =	sadd.s32 $0x2000, s10;
	s13 =	sadd.s32 $0x3000, s10;
	s14 =	sadd.s32 $0x4000, s10  }
.LBB2_1:
0x18: {  	s5 =	simm.s32 $0x0;
	s6 =	rddreg [dreg:$0x5]  }
0x19: {  	[tilespmem:s17], [sflag:$0x1] =	stream.linear.gather [hbm4b:s6+s5], $0x2880, $0x38;
	[tilespmem:$0x11E20] =	vst v63  }
0x1a: {  	s8 =	rddreg [dreg:$0x6]  }
0x1b: {  	[tilespmem:s18], [sflag:$0x1] =	stream.linear.gather [hbm4b:s8+s5], $0x2880, $0x38;
	[tilespmem:$0x11E20] =	vst v63  }
0x1c: {  	s6 =	simm.s32 $0x0;
	s8 =	rddreg [dreg:$0x7];
	s5 =	simm.s32 $0x80  }
0x1d: {  	[spmem:s19], [sflag:s9] =	dma.local [hbm:s8], $0x9C4  }
.LBB2_2:
0x1e: {  	p0 =	sne.s32 s5, $0x3F80;
	[tilespmem:s6+$0xEE20] =	vst v0;
	s8 =	smov.u32 s5;
	s5 =	sadd.s32 $0x80, s5  }
.Ltmp0:
0x1f: {  	[tilespmem:s6+$0xEE30] =	vst v0;
	(pc) =	sbr.rel @p0 .LBB2_2-.Ltmp0, $2  }
0x20: {  	_ =	sdelay $0x2  }
0x21: {  	s6 =	sshra.s32 s8, $0x2  }
0x22: {  	[tilespmem:s6+$0xEE20] =	vst v0  }
0x23: {  	[tilespmem:s6+$0xEE30] =	vst v0  }
0x24: {  	[spmem:s10] =	stream.linear.scatter [tilespmem:s20], [sflag:$0x9], $0x1000, $0x38;
	[tilespmem:$0x11E20] =	vst v63  }
0x25: {  	_ =	swait.ge [sflag:s21], $0x1000  }
0x26: {  	[sflag:s21] =	ssyncset.done $0x0  }
0x27: {  	[sflag:s21] =	ssyncadd.s32 $0xFFFFF000  }
0x28: {  	[spmem:s11] =	stream.linear.scatter [tilespmem:s20], [sflag:$0x9], $0x1000, $0x38;
	[tilespmem:$0x11E20] =	vst v63  }
0x29: {  	_ =	swait.ge [sflag:s21], $0x1000  }
0x2a: {  	[sflag:s21] =	ssyncset.done $0x0  }
0x2b: {  	[sflag:s21] =	ssyncadd.s32 $0xFFFFF000  }
0x2c: {  	[spmem:s12] =	stream.linear.scatter [tilespmem:s20], [sflag:$0x9], $0x1000, $0x38;
	[tilespmem:$0x11E20] =	vst v63  }
0x2d: {  	_ =	swait.ge [sflag:s21], $0x1000  }
0x2e: {  	[sflag:s21] =	ssyncset.done $0x0  }
0x2f: {  	[sflag:s21] =	ssyncadd.s32 $0xFFFFF000  }
0x30: {  	[spmem:s13] =	stream.linear.scatter [tilespmem:s20], [sflag:$0x9], $0x1000, $0x38;
	[tilespmem:$0x11E20] =	vst v63  }
0x31: {  	_ =	swait.ge [sflag:s21], $0x1000  }
0x32: {  	[sflag:s21] =	ssyncset.done $0x0  }
0x33: {  	[sflag:s21] =	ssyncadd.s32 $0xFFFFF000  }
0x34: {  	[spmem:s14] =	stream.linear.scatter [tilespmem:s20], [sflag:$0x9], $0xF00, $0x38;
	[tilespmem:$0x11E20] =	vst v63  }
0x35: {  	_ =	swait.ge [sflag:s21], $0xF00  }
0x36: {  	[sflag:s21] =	ssyncset.done $0x0  }
0x37: {  	[sflag:s21] =	ssyncadd.s32 $0xFFFFF100  }
0x38: {  	_ =	swait.ge [sflag:s22], $0x2880  }
0x39: {  	[sflag:s22] =	ssyncset.done $0x0  }
0x3a: {  	[sflag:s22] =	ssyncadd.s32 $0xFFFFD780  }
0x3b: {  	_ =	swait.ge [sflag:s22], $0x2880  }
0x3c: {  	[sflag:s22] =	ssyncset.done $0x0  }
0x3d: {  	[sflag:s22] =	ssyncadd.s32 $0xFFFFD780  }
0x3e: {  	_ =	swait.ge [sflag:s23], $0x9C4  }
0x3f: {  	[sflag:s23] =	ssyncset.done $0x0  }
0x40: {  	[sflag:s23] =	ssyncadd.s32 $0xFFFFF63C  }
0x41: {  	[bflag:$0x0] =	sbarrier.arrive $0xFFFF  }
0x42: {  	[tilespmem:s20], [sflag:$0x3] =	stream.indirect.gather [spmem:s2], $0x20, s17, s24, $0xb8;
	[tilespmem:$0x11E20] =	vst v63  }
0x43: {  	s5 =	simm.s32 $0x9DA0  }
0x44: {  	[tilespmem:s26], [sflag:$0x4] =	stream.indirect.gather [spmem:s2], $0x20, s5, s24, $0xb8;
	[tilespmem:$0x11E20] =	vst v63  }
0x45: {  	s6 =	simm.s32 $0x9E20  }
0x46: {  	[tilespmem:s29], [sflag:$0x5] =	stream.indirect.gather [spmem:s2], $0x20, s6, s24, $0xb8;
	[tilespmem:$0x11E20] =	vst v63  }
0x47: {  	_ =	swait.ge [sflag:s30], $0x1000  }
0x48: {  	[sflag:s30] =	ssyncset.done $0x0  }
0x49: {  	[sflag:s30] =	ssyncadd.s32 $0xFFFFF000  }
0x4a: {  	[spmem:s3] =	stream.indirect.scatter.add.f32 [tilespmem:s20], [sflag:$0x6], $0x20, s18, s24, $0xb8;
	[tilespmem:$0x11E20] =	vst v63  }
0x4b: {  	_ =	swait.ge [sflag:s31], $0x1000  }
0x4c: {  	[sflag:s31] =	ssyncset.done $0x0  }
0x4d: {  	s8 =	simm.s32 $0x9EA0;
	[sflag:s31] =	ssyncadd.s32 $0xFFFFF000  }
0x4e: {  	[tilespmem:s20], [sflag:$0x3] =	stream.indirect.gather [spmem:s2], $0x20, s8, s24, $0xb8;
	[tilespmem:$0x11E20] =	vst v63  }
0x4f: {  	_ =	swait.ge [sflag:s0], $0x1000  }
0x50: {  	[sflag:s0] =	ssyncset.done $0x0  }
0x51: {  	s6 =	simm.s32 $0xC620;
	[sflag:s0] =	ssyncadd.s32 $0xFFFFF000  }
0x52: {  	[spmem:s3] =	stream.indirect.scatter.add.f32 [tilespmem:s26], [sflag:$0x7], $0x20, s6, s24, $0xb8;
	[tilespmem:$0x11E20] =	vst v63  }
0x53: {  	_ =	swait.ge [sflag:s1], $0x1000  }
0x54: {  	[sflag:s1] =	ssyncset.done $0x0  }
0x55: {  	s8 =	simm.s32 $0x9F20;
	[sflag:s1] =	ssyncadd.s32 $0xFFFFF000  }
0x56: {  	[tilespmem:s26], [sflag:$0x4] =	stream.indirect.gather [spmem:s2], $0x20, s8, s24, $0xb8;
	[tilespmem:$0x11E20] =	vst v63  }
0x57: {  	_ =	swait.ge [sflag:s25], $0x1000  }
0x58: {  	[sflag:s25] =	ssyncset.done $0x0  }
0x59: {  	s6 =	simm.s32 $0xC6A0;
	[sflag:s25] =	ssyncadd.s32 $0xFFFFF000  }
0x5a: {  	[spmem:s3] =	stream.indirect.scatter.add.f32 [tilespmem:s29], [sflag:$0x8], $0x20, s6, s24, $0xb8;
	[tilespmem:$0x11E20] =	vst v63  }
0x5b: {  	_ =	swait.ge [sflag:s28], $0x1000  }
0x5c: {  	[sflag:s28] =	ssyncset.done $0x0  }
0x5d: {  	s8 =	simm.s32 $0x9FA0;
	[sflag:s28] =	ssyncadd.s32 $0xFFFFF000  }
0x5e: {  	[tilespmem:s29], [sflag:$0x5] =	stream.indirect.gather [spmem:s2], $0x20, s8, s24, $0xb8;
	[tilespmem:$0x11E20] =	vst v63  }
0x5f: {  	_ =	swait.ge [sflag:s30], $0x1000  }
0x60: {  	[sflag:s30] =	ssyncset.done $0x0  }
0x61: {  	s5 =	simm.s32 $0x600;
	s6 =	simm.s32 $0xC720;
	[sflag:s30] =	ssyncadd.s32 $0xFFFFF000  }
.LBB2_4:
0x62: {  	[spmem:s3] =	stream.indirect.scatter.add.f32 [tilespmem:s20], [sflag:$0x6], $0x20, s6, s24, $0xb8;
	[tilespmem:$0x11E20] =	vst v63  }
0x63: {  	s6 =	smov.u32 s5  }
0x64: {  	p0 =	sne.s32 s5, $0x9600;
	s5 =	sadd.s32 $0x600, s5;
	_ =	swait.ge [sflag:s31], $0x1000  }
0x65: {  	s6 =	sshra.s32 s6, $0x2;
	[sflag:s31] =	ssyncset.done $0x0  }
0x66: {  	s8 =	sadd.s32 $0x9EA0, s6;
	[sflag:s31] =	ssyncadd.s32 $0xFFFFF000  }
0x67: {  	[tilespmem:s20], [sflag:$0x3] =	stream.indirect.gather [spmem:s2], $0x20, s8, s24, $0xb8;
	[tilespmem:$0x11E20] =	vst v63  }
0x68: {  	_ =	swait.ge [sflag:s0], $0x1000  }
0x69: {  	[sflag:s0] =	ssyncset.done $0x0  }
0x6a: {  	s8 =	sadd.s32 $0xC620, s6;
	[sflag:s0] =	ssyncadd.s32 $0xFFFFF000  }
0x6b: {  	[spmem:s3] =	stream.indirect.scatter.add.f32 [tilespmem:s26], [sflag:$0x7], $0x20, s8, s24, $0xb8;
	[tilespmem:$0x11E20] =	vst v63  }
0x6c: {  	_ =	swait.ge [sflag:s1], $0x1000  }
0x6d: {  	[sflag:s1] =	ssyncset.done $0x0  }
0x6e: {  	s8 =	sadd.s32 $0x9F20, s6;
	[sflag:s1] =	ssyncadd.s32 $0xFFFFF000  }
0x6f: {  	[tilespmem:s26], [sflag:$0x4] =	stream.indirect.gather [spmem:s2], $0x20, s8, s24, $0xb8;
	[tilespmem:$0x11E20] =	vst v63  }
0x70: {  	_ =	swait.ge [sflag:s25], $0x1000  }
0x71: {  	[sflag:s25] =	ssyncset.done $0x0  }
0x72: {  	s8 =	sadd.s32 $0xC6A0, s6;
	[sflag:s25] =	ssyncadd.s32 $0xFFFFF000  }
0x73: {  	[spmem:s3] =	stream.indirect.scatter.add.f32 [tilespmem:s29], [sflag:$0x8], $0x20, s8, s24, $0xb8;
	[tilespmem:$0x11E20] =	vst v63  }
0x74: {  	_ =	swait.ge [sflag:s28], $0x1000  }
0x75: {  	[sflag:s28] =	ssyncset.done $0x0  }
.Ltmp1:
0x76: {  	s8 =	sadd.s32 $0x9FA0, s6;
	[sflag:s28] =	ssyncadd.s32 $0xFFFFF000;
	(pc) =	sbr.rel @p0 .LBB2_4-.Ltmp1, $4  }
0x77: {  	[tilespmem:s29], [sflag:$0x5] =	stream.indirect.gather [spmem:s2], $0x20, s8, s24, $0xb8;
	[tilespmem:$0x11E20] =	vst v63  }
0x78: {  	_ =	swait.ge [sflag:s30], $0x1000  }
0x79: {  	[sflag:s30] =	ssyncset.done $0x0  }
0x7a: {  	s6 =	sadd.s32 $0xC720, s6;
	[sflag:s30] =	ssyncadd.s32 $0xFFFFF000  }
0x7b: {  	[spmem:s3] =	stream.indirect.scatter.add.f32 [tilespmem:s20], [sflag:$0x6], $0x20, s6, s24, $0xb8;
	[tilespmem:$0x11E20] =	vst v63  }
0x7c: {  	_ =	swait.ge [sflag:s0], $0x1000  }
0x7d: {  	[sflag:s0] =	ssyncset.done $0x0  }
0x7e: {  	s5 =	simm.s32 $0xED20;
	[sflag:s0] =	ssyncadd.s32 $0xFFFFF000  }
0x7f: {  	[spmem:s3] =	stream.indirect.scatter.add.f32 [tilespmem:s26], [sflag:$0x7], $0x20, s5, s24, $0xb8;
	[tilespmem:$0x11E20] =	vst v63  }
0x80: {  	_ =	swait.ge [sflag:s25], $0x1000  }
0x81: {  	[sflag:s25] =	ssyncset.done $0x0  }
0x82: {  	s8 =	simm.s32 $0xEDA0;
	[sflag:s25] =	ssyncadd.s32 $0xFFFFF000  }
0x83: {  	[spmem:s3] =	stream.indirect.scatter.add.f32 [tilespmem:s29], [sflag:$0x8], $0x20, s8, s24, $0xb8;
	[tilespmem:$0x11E20] =	vst v63  }
0x84: {  	_ =	swait.ge [sflag:s31], $0x1000  }
0x85: {  	[sflag:s31] =	ssyncset.done $0x0  }
0x86: {  	[sflag:s31] =	ssyncadd.s32 $0xFFFFF000  }
0x87: {  	_ =	swait.ge [sflag:s1], $0x1000  }
0x88: {  	[sflag:s1] =	ssyncset.done $0x0  }
0x89: {  	[sflag:s1] =	ssyncadd.s32 $0xFFFFF000  }
0x8a: {  	_ =	swait.ge [sflag:s28], $0x1000  }
0x8b: {  	s4 =	sadd.s32 $0x1, s4;
	[sflag:s28] =	ssyncset.done $0x0  }
0x8c: {  	s6 =	sor.u32 $0x1C09, s7;
	p0 =	sne.s32 s4, s16;
	[sflag:s28] =	ssyncadd.s32 $0xFFFFF000  }
.Ltmp2:
0x8d: {  	s8 =	sshrl.u32 s10, $0x3;
	[bflag:$0x0] =	sbarrier.arrive $0xFFFF;
	(pc) =	sbr.rel @p0 .LBB2_1-.Ltmp2, $4  }
0x8e: {  	[hbm:s15], [sflag:s6] =	dma.local [spmem:s8], $0x9E0  }
0x8f: {  	_ =	swait.ge [sflag:s21], $0x9E0  }
0x90: {  	[sflag:s21] =	ssyncset.done $0x0  }
0x91: {  	[sflag:s21] =	ssyncadd.s32 $0xFFFFF620  }
0x92: {  	_ =	sfence.sel $0x180000  }
0x93: {  	[bflag:$0x0] =	sbarrier.arrive $0xFFFF  }
0x94: {  	_ =	strace $0x9000004D  }
0x95: {  	s0 =	stileid.u32;
	[bflag:$0x2] =	sbarrier.arrive $0xFFFF  }
0x96: {  	p0 =	sne.s32 s0, $0x0;
	s0 =	rddreg [dreg:$0x4]  }
0x97: {  	s0 =	sadd.s32 @!p0 $0x100000, s0  }
0x98: {  	[sflag:s0] =	ssyncadd.tile.s32 @!p0 $0x1;
	_ =	shalt  }
.Lfunc_end2:
_tile_overlayer_lowered:
.L_overlay_start_2:
0x99: {  	(tag) =	ssettag $0x2  }
0x9a: {  	s0 =	rddreg [dreg:$0x0];
	s2 =	stileid.u32  }
0x9b: {  	s1 =	rddreg [dreg:$0x1];
	p0 =	sne.s32 s2, $0x0  }
0x9c: {  	s3 =	rddreg [dreg:$0x2];
	[bflag:$0x3] =	sbarrier.arrive $0xFFFF;
	s2 =	simm.s32 @!p0 $0x1C09  }
0x9d: {  	[timem:s3], [sflag:s2] =	dma.local @!p0 [hbm:s0], s1  }
0x9e: {  	s0 =	simm.s32 @!p0 $0x9  }
0x9f: {  	_ =	swait.ge @!p0 [sflag:s0], s1  }
0xa0: {  	s1 =	ssub.s32 @!p0 $0x0, s1;
	[sflag:s0] =	ssyncset.done @!p0 $0x0  }
0xa1: {  	[sflag:s0] =	ssyncadd.s32 @!p0 s1  }
0xa2: {  	[bflag:$0x3] =	sbarrier.arrive $0xFFFF  }
0xa3: {  	_ =	shalt  }

// kernel: kernel.8.cloned.1.call-start
scs
__scs_entry_jumppad:
0x0: {  	(pc) =	sbr.rel $0x88, $3  }
0x1: {  	(tag) =	ssettag $0x0;
	lr =	simm.s32 $0x1  }
0x2: {  	[smem:$0x3F9B] =	sst lr;
	_ =	strace $0xD0000000  }
0x3: {  	_ = 	snop  }
0x4: {  	_ = 	snop  }
0x5: {  	_ = 	snop  }
0x6: {  	_ = 	snop  }
0x7: {  	_ = 	snop  }
__scs_overlays_trampoline_lowered:
0x8: {  	[smem:$0x3FAA] =	sst s0  }
0x9: {  	[smem:$0x3FAB] =	sst s1  }
0xa: {  	[smem:$0x3FAC] =	sst s2  }
0xb: {  	[smem:$0x3FAD] =	sst s3  }
0xc: {  	[smem:$0x3FAE] =	sst s4  }
0xd: {  	[smem:$0x3FAF] =	sst s5  }
0xe: {  	[smem:$0x3FB0] =	sst s6  }
0xf: {  	[smem:$0x3FB1] =	sst s7  }
0x10: {  	[smem:$0x3FB2] =	sst s8  }
0x11: {  	[smem:$0x3FB3] =	sst s9;
	s0 =	simm.s32 @!p0 $0x0  }
0x12: {  	s1 =	sld [smem:$0x3F99];
	s0 =	simm.s32 @p0 $0x1  }
0x13: {  	[smem:$0x3FB4] =	sst s0;
	s0 =	simm.s32 @!p1 $0x0  }
0x14: {  	s2 =	sld [smem:$0x3F98];
	s0 =	simm.s32 @p1 $0x1  }
0x15: {  	[smem:$0x3FB5] =	sst s0;
	s0 =	simm.s32 @!p2 $0x0  }
0x16: {  	s3 =	sld [smem:$0x3FDB];
	s0 =	simm.s32 @p2 $0x1  }
0x17: {  	s4 =	simm.s32 $0x1BF5;
	[smem:$0x3FB7] =	sst s0  }
0x18: {  	s0 =	sld [smem:$0x3F9A];
	_ =	swait.ge [sflag:s4], $0x0  }
0x19: {  	s7 =	sld [smem:$0x3F9B]  }
0x1a: {  	s8 =	sadd.s32 $0xFFFFE003, lr  }
0x1b: {  	s9 =	sadd.s32 $0xFFFFFEF7, lr;
	s5 =	simm.s32 $0xFFFFFFFF;
	p2 =	slt.u32 s8, $0xFFFFF086  }
0x1c: {  	p1 =	slt.u32 s9, $0xF7A;
	s5 =	simm.s32 @!p2 $0x0  }
0x1d: {  	s5 =	simm.s32 @p1 $0x1;
	p0 =	seq.s32 s7, s2  }
0x1e: {  	s7 =	smul.u32 @!p0 $0xF7A, s2;
	p2 =	seq.s32 @!p0 s5, $0x0  }
0x1f: {  	s9 =	smul.u32 $0xF7A, s1;
	s8 =	simm.s32 @!p0 $0x1BF5;
	p2 =	por !p2, p0  }
0x20: {  	[sflag:s8] =	ssyncset.s32 @!p0 $0xFFFFF086;
	s6 =	sadd.s32 @!p0 s3, s7;
	s7 =	simm.s32 @!p0 $0x108  }
0x21: {  	s3 =	sadd.s32 s3, s9;
	s6 =	sadd.s32 @!p0 $0x88, s6;
	s7 =	simm.s32 @p2 $0x1082  }
0x22: {  	[simem:s7], [sflag:s8] =	dma.local @!p0 [hbm:s6], $0xF7A  }
0x23: {  	s9 =	sor.u32 $0xD0000000, s2;
	s6 =	simm.s32 $0x108;
	_ =	swait.ge @!p0 [sflag:s8], $0x0  }
0x24: {  	s3 =	sadd.s32 $0x88, s3;
	s6 =	simm.s32 @!p1 $0x1082;
	[sflag:s4] =	ssyncset.s32 $0xFFFFF086  }
0x25: {  	[simem:s6], [sflag:s4] =	dma.local [hbm:s3], $0xF7A  }
0x26: {  	[smem:$0x3F9B] =	sst s1;
	(tag) =	ssettag s2;
	_ =	strace s9  }
0x27: {  	s1 =	sld [smem:$0x3FAB]  }
0x28: {  	s2 =	sld [smem:$0x3FAC]  }
0x29: {  	s4 =	sld [smem:$0x3FAE]  }
0x2a: {  	p0 =	seq.s32 s5, $0x0;
	s5 =	sld [smem:$0x3FAF]  }
0x2b: {  	s6 =	sld [smem:$0x3FB0]  }
0x2c: {  	s7 =	sld [smem:$0x3FB1]  }
0x2d: {  	s3 =	simm.s32 $0x108;
	s8 =	sld [smem:$0x3FB2]  }
0x2e: {  	s3 =	simm.s32 @!p0 $0x1082;
	s9 =	sld [smem:$0x3FB3]  }
0x2f: {  	lr =	sadd.s32 s0, s3;
	s0 =	sld [smem:$0x3FAA]  }
0x30: {  	s3 =	sld [smem:$0x3FAD]  }
0x31: {  	[smem:$0x3FB6] =	sst s10  }
0x32: {  	s10 =	sld [smem:$0x3FB4];
	_ =	sdelay $0x3  }
0x33: {  	p0 =	seq.s32 s10, $0x1;
	s10 =	sld [smem:$0x3FB6];
	_ =	sdelay $0x3  }
0x34: {  	[smem:$0x3FB6] =	sst s10  }
0x35: {  	s10 =	sld [smem:$0x3FB5];
	_ =	sdelay $0x3  }
0x36: {  	p1 =	seq.s32 s10, $0x1;
	s10 =	sld [smem:$0x3FB6];
	_ =	sdelay $0x3  }
0x37: {  	[smem:$0x3FB6] =	sst s10  }
0x38: {  	s10 =	sld [smem:$0x3FB7]  }
0x39: {  	_ = 	snop;
	(pc) =	sbr.ind lr, $3  }
0x3a: {  	_ = 	snop  }
0x3b: {  	_ = 	snop  }
0x3c: {  	p2 =	seq.s32 s10, $0x1;
	s10 =	sld [smem:$0x3FB6]  }
0x3d: {  	_ =	shalt  }
0x3e: {  	_ =	shalt  }
0x3f: {  	_ =	shalt  }
0x40: {  	_ =	shalt  }
0x41: {  	_ =	shalt  }
0x42: {  	_ =	shalt  }
0x43: {  	_ =	shalt  }
0x44: {  	_ =	shalt  }
0x45: {  	_ =	shalt  }
0x46: {  	_ =	shalt  }
0x47: {  	_ =	shalt  }
0x48: {  	_ =	shalt  }
0x49: {  	_ =	shalt  }
0x4a: {  	_ =	shalt  }
0x4b: {  	_ =	shalt  }
0x4c: {  	_ =	shalt  }
0x4d: {  	_ =	shalt  }
0x4e: {  	_ =	shalt  }
0x4f: {  	_ =	shalt  }
0x50: {  	_ =	shalt  }
0x51: {  	_ =	shalt  }
0x52: {  	_ =	shalt  }
0x53: {  	_ =	shalt  }
0x54: {  	_ =	shalt  }
0x55: {  	_ =	shalt  }
0x56: {  	_ =	shalt  }
0x57: {  	_ =	shalt  }
0x58: {  	_ =	shalt  }
0x59: {  	_ =	shalt  }
0x5a: {  	_ =	shalt  }
0x5b: {  	_ =	shalt  }
0x5c: {  	_ =	shalt  }
0x5d: {  	_ =	shalt  }
0x5e: {  	_ =	shalt  }
0x5f: {  	_ =	shalt  }
0x60: {  	_ =	shalt  }
0x61: {  	_ =	shalt  }
0x62: {  	_ =	shalt  }
0x63: {  	_ =	shalt  }
0x64: {  	_ =	shalt  }
0x65: {  	_ =	shalt  }
0x66: {  	_ =	shalt  }
0x67: {  	_ =	shalt  }
0x68: {  	_ =	shalt  }
0x69: {  	_ =	shalt  }
0x6a: {  	_ =	shalt  }
0x6b: {  	_ =	shalt  }
0x6c: {  	_ =	shalt  }
0x6d: {  	_ =	shalt  }
0x6e: {  	_ =	shalt  }
0x6f: {  	_ =	shalt  }
0x70: {  	_ =	shalt  }
0x71: {  	_ =	shalt  }
0x72: {  	_ =	shalt  }
0x73: {  	_ =	shalt  }
0x74: {  	_ =	shalt  }
0x75: {  	_ =	shalt  }
0x76: {  	_ =	shalt  }
0x77: {  	_ =	shalt  }
0x78: {  	_ =	shalt  }
0x79: {  	_ =	shalt  }
0x7a: {  	_ =	shalt  }
0x7b: {  	_ =	shalt  }
0x7c: {  	_ =	shalt  }
0x7d: {  	_ =	shalt  }
0x7e: {  	_ =	shalt  }
0x7f: {  	_ =	shalt  }
0x80: {  	_ =	shalt  }
0x81: {  	_ =	shalt  }
0x82: {  	_ =	shalt  }
0x83: {  	_ =	shalt  }
0x84: {  	_ =	shalt  }
0x85: {  	_ =	shalt  }
0x86: {  	_ =	shalt  }
0x87: {  	_ =	shalt  }
.Lfunc_end0:
.L_simem_size_0:
called_computation_lowered:
.L_overlay_start_0:
0x88: {  	s2 =	sld [smem:$0x3FD9]  }
0x89: {  	s3 =	sld [smem:$0x3FFE];
	_ =	sdelay $0x1  }
0x8a: {  	s1 =	srdreg.scid  }
0x8b: {  	s0 =	sand.u32 $0x1, s1  }
0x8c: {  	s17 =	sshll.u32 s0, $0xA;
	s2 =	sadd.s32 s3, s2  }
0x8d: {  	s2 =	sadd.s32 s2, s17  }
0x8e: {  	[smem:$0x3FC2] =	sst s2  }
0x8f: {  	_ = 	snop  }
0x90: {  	s2 =	sld [smem:$0x3FD0];
	(tm) =	ssettm $0x1  }
0x91: {  	s18 =	sld [smem:$0x3FFB];
	_ =	sdelay $0x3  }
0x92: {  	_ =	strace s18  }
0x93: {  	s3 =	sld [smem:$0x3FFC];
	_ =	sdelay $0x3  }
0x94: {  	_ =	strace s3  }
0x95: {  	s3 =	sld [smem:$0x3FFD];
	_ =	sdelay $0x3  }
0x96: {  	_ =	strace s3  }
0x97: {  	_ =	strace $0x8FFFFFFF  }
0x98: {  	s19 =	sld [smem:$0x3FDB];
	_ =	sdelay $0x1  }
0x99: {  	s4 =	simm.s32 $_scs_section_size  }
0x9a: {  	s5 =	simm.s32 $_size__tile_overlayer_lowered;
	s6 =	simm.s32 $_tile_overlayer_lowered  }
0x9b: {  	s22 =	simm.s32 $0x1BFF;
	s21 =	sshll.u32 s6, $0x1;
	s3 =	sadd.s32 s4, s19  }
0x9c: {  	s7 =	simm.s32 $0x0;
	s20 =	sshll.u32 s5, $0x1;
	s5 =	sadd.s32 s21, s3  }
0x9d: {  	[timem:s7], [sflag:s22] =	dma.local [hbm:s5], s20  }
0x9e: {  	_ =	swait.ge [sflag:s22], s20  }
0x9f: {  	s4 =	ssub.s32 $0x0, s20;
	[sflag:s22] =	ssyncset.done $0x0  }
0xa0: {  	[sflag:s22] =	ssyncadd.s32 s4;
	_ =	sdelay $0x1  }
0xa1: {  	s23 =	simm.s32 $0x1B8B  }
0xa2: {  	_ =	swait.ge [sflag:s23], $0x1  }
0xa3: {  	[sflag:s23] =	ssyncset.done $0x0  }
0xa4: {  	s25 =	simm.s32 $0x1B8E;
	s24 =	sld [smem:$0x3FFE];
	[sflag:s23] =	ssyncadd.s32 $0xFFFFFFFF  }
0xa5: {  	s26 =	simm.s32 $execute0_lowered;
	[smem:$0x3FD2] =	sst s25  }
0xa6: {  	s5 =	sshll.u32 s26, $0x1;
	_ =	strace $0x80000046;
	[dreg:$0x1] =	wrdreg $0xFFFFFFFF  }
0xa7: {  	s28 =	simm.s32 $_size_execute0_lowered;
	s3 =	sadd.s32 s3, s5;
	[dreg:$0x0] =	wrdreg $0x0  }
0xa8: {  	s5 =	sshll.u32 s28, $0x1;
	[dreg:$0x2] =	wrdreg s3  }
0xa9: {  	[dreg:$0x3] =	wrdreg s5  }
0xaa: {  	[dreg:$0x4] =	wrdreg $0xC0  }
0xab: {  	_ =	task [dreg:s7], $0x5FFFF  }
0xac: {  	[dreg:$0x1] =	wrdreg $0xFFFFFFFF  }
0xad: {  	[dreg:$0x0] =	wrdreg $0x60  }
0xae: {  	[dreg:$0x2] =	wrdreg s24  }
0xaf: {  	[dreg:$0x3] =	wrdreg s2  }
0xb0: {  	[dreg:$0x4] =	wrdreg $0x9  }
0xb1: {  	_ =	task.clear_ibuf [dreg:s7], $0x5FFFF;
	_ =	strace $0x90000046  }
0xb2: {  	s29 =	simm.s32 $0x9;
	_ =	strace $0x80000048  }
0xb3: {  	_ =	swait.ge [sflag:s29], $0x1  }
0xb4: {  	[sflag:s29] =	ssyncadd.s32 $0xFFFFFFFF  }
0xb5: {  	_ =	strace $0x90000048  }
0xb6: {  	_ =	sfence  }
0xb7: {  	s30 =	sld [smem:$0x0];
	_ =	sdelay $0x2  }
0xb8: {  	s31 =	sshll.u32 s1, $0xD;
	s1 =	sshrl.u32 s1, $0x2  }
0xb9: {  	s3 =	sand.u32 $0x4000, s31;
	s1 =	sadd.s32 s1, s30  }
0xba: {  	s0 =	sor.u32 s3, s0;
	s1 =	sshll.u32 s1, $0x11  }
0xbb: {  	s0 =	sor.u32 s1, s0  }
0xbc: {  	s0 =	sadd.s32 $0x8F2B, s0  }
0xbd: {  	[sflag:s0] =	ssyncadd.remote.s32 $0x1  }
0xbe: {  	_ =	sfence.sel $0xFFFF  }
0xbf: {  	[dreg:$0x0] =	wrdreg $0xFFFFFFFF;
	(pc) =	sbr.abs _section_cstart, $3  }
0xc0: {  	[dreg:$0x1] =	wrdreg $0xFFFFFFFF  }
0xc1: {  	_ =	task.clear_ibuf [dreg:s7], $0x2FFFF;
	_ =	strace $0x9FFFFFFF  }
0xc2: {  	(tm) =	ssettm $0x7FFFFFFF  }
0xc3: {  	_ =	shalt  }
tec
execute0_lowered:
.L_overlay_start_1:
0x0: {  	(tag) =	ssettag $0x1  }
0x1: {  	s3 =	rddreg [dreg:$0x0]  }
0x2: {  	s4 =	rddreg [dreg:$0x1]  }
0x3: {  	s0 =	rddreg [dreg:$0x2]  }
0x4: {  	s1 =	stileid.u32;
	s2 =	simm.s32 $0x0;
	s5 =	srdreg.scid  }
0x5: {  	s9 =	simm.s32 $0x0;
	s6 =	smul.u32 $0x510, s1;
	s5 =	sand.u32 $0x1, s5  }
0x6: {  	[smem:$0x7FF] =	sst s2;
	p0 =	seq.s32 s5, $0x0;
	s8 =	sshll.u32 s5, $0x4  }
0x7: {  	s5 =	ssub.s32 $0x2, s5;
	_ =	strace $0x80000047;
	s7 =	sadd.s32 $0x5100, s6  }
0x8: {  	s30 =	sor.u32 s1, s8;
	s31 =	sshrl.u32 s5, $0x1;
	s8 =	simm.s32 $0x2  }
0x9: {  	s7 =	smov.u32 @p0 s6;
	s6 =	smul.u32 $0x4F0, s30;
	s5 =	ssub.s32 s5, s31  }
0xa: {  	s3 =	sadd.s32 s7, s3;
	s5 =	smax.u32 s5, $0x1;
	s7 =	simm.s32 $0x1  }
0xb: {  	v0 =	vimm.f32 $0.0e+00;
	v1 =	vimm.f32 $1.000000000e+00;
	s3 =	sadd.s32 $0x1400, s3;
	s4 =	sadd.s32 s4, s6;
	s6 =	simm.s32 $0x2780  }
.LBB2_1:
0xc: {  	[tilespmem:s6], [sflag:$0x1] =	stream.linear.gather [hbm4b:s3+s2], $0x2880, $0x38;
	[tilespmem:$0x5000] =	vst v63  }
0xd: {  	s10 =	simm.s32 $0x40;
	s11 =	simm.s32 $0x0  }
.LBB2_2:
0xe: {  	p0 =	sne.s32 s10, $0x9DC0;
	[tilespmem:s11+$0x0] =	vst v0;
	s11 =	smov.u32 s10;
	s10 =	sadd.s32 $0x40, s10  }
.Ltmp0:
0xf: {  	(pc) =	sbr.rel @p0 .LBB2_2-.Ltmp0, $2  }
0x10: {  	_ =	sdelay $0x2  }
0x11: {  	s11 =	sshra.s32 s11, $0x2  }
0x12: {  	[tilespmem:s11+$0x0] =	vst v0  }
0x13: {  	_ =	swait.ge [sflag:s7], $0x2880  }
0x14: {  	[sflag:s7] =	ssyncset.done $0x0  }
0x15: {  	s10 =	simm.s32 $0x0;
	[sflag:s7] =	ssyncadd.s32 $0xFFFFD780  }
.LBB2_4:
0x16: {  	s11 =	sshra.s32 s10, $0x2  }
0x17: {  	v2 =	vld [tilespmem:s11+$0x2780];
	_ =	sdelay $0x7  }
0x18: {  	[tilespmem:v2+s2+$0x0] =	vst.idx.add.f32.msk $0xffff, v1  }
0x19: {  	v2 =	vld [tilespmem:s11+$0x2790];
	_ =	sdelay $0x7  }
0x1a: {  	[tilespmem:v2+s2+$0x0] =	vst.idx.add.f32.msk $0xffff, v1  }
0x1b: {  	v2 =	vld [tilespmem:s11+$0x27A0];
	_ =	sdelay $0x7  }
0x1c: {  	[tilespmem:v2+s2+$0x0] =	vst.idx.add.f32.msk $0xffff, v1  }
0x1d: {  	v2 =	vld [tilespmem:s11+$0x27B0];
	_ =	sdelay $0x7  }
0x1e: {  	[tilespmem:v2+s2+$0x0] =	vst.idx.add.f32.msk $0xffff, v1  }
0x1f: {  	v2 =	vld [tilespmem:s11+$0x27C0];
	_ =	sdelay $0x7  }
0x20: {  	[tilespmem:v2+s2+$0x0] =	vst.idx.add.f32.msk $0xffff, v1  }
0x21: {  	v2 =	vld [tilespmem:s11+$0x27D0];
	_ =	sdelay $0x7  }
0x22: {  	[tilespmem:v2+s2+$0x0] =	vst.idx.add.f32.msk $0xffff, v1  }
0x23: {  	v2 =	vld [tilespmem:s11+$0x27E0];
	_ =	sdelay $0x7  }
0x24: {  	[tilespmem:v2+s2+$0x0] =	vst.idx.add.f32.msk $0xffff, v1  }
0x25: {  	v2 =	vld [tilespmem:s11+$0x27F0];
	_ =	sdelay $0x2  }
0x26: {  	p0 =	sne.s32 s10, $0xA000  }
.Ltmp1:
0x27: {  	_ = 	snop;
	(pc) =	sbr.rel @p0 .LBB2_4-.Ltmp1, $2  }
0x28: {  	_ =	sdelay $0x2  }
0x29: {  	s10 =	sadd.s32 $0x200, s10;
	[tilespmem:v2+s2+$0x0] =	vst.idx.add.f32.msk $0xffff, v1  }
0x2a: {  	s9 =	sadd.s32 $0x1, s9  }
0x2b: {  	p0 =	sne.s32 s9, s5  }
.Ltmp2:
0x2c: {  	_ = 	snop;
	(pc) =	sbr.rel @p0 .LBB2_1-.Ltmp2, $4  }
0x2d: {  	[hbm4b:s4+s2] =	stream.linear.scatter [tilespmem:s2], [sflag:$0x2], $0x2780, $0x38;
	[tilespmem:$0x5000] =	vst v63  }
0x2e: {  	_ =	swait.ge [sflag:s8], $0x2780  }
0x2f: {  	[sflag:s8] =	ssyncset.done $0x0  }
0x30: {  	[sflag:s8] =	ssyncadd.s32 $0xFFFFD880  }
0x31: {  	_ =	sfence.sel $0x180000  }
0x32: {  	[bflag:$0x0] =	sbarrier.arrive $0xFFFF  }
0x33: {  	p0 =	sne.s32 s1, $0x0;
	_ =	strace $0x90000047  }
0x34: {  	s0 =	sadd.s32 @!p0 $0x100000, s0;
	[bflag:$0x2] =	sbarrier.arrive $0xFFFF  }
0x35: {  	[sflag:s0] =	ssyncadd.tile.s32 @!p0 $0x1;
	_ =	shalt  }
.Lfunc_end2:
_tile_overlayer_lowered:
.L_overlay_start_2:
0x36: {  	(tag) =	ssettag $0x2  }
0x37: {  	s0 =	rddreg [dreg:$0x0];
	s2 =	stileid.u32  }
0x38: {  	s1 =	rddreg [dreg:$0x1];
	p0 =	sne.s32 s2, $0x0  }
0x39: {  	s3 =	rddreg [dreg:$0x2];
	[bflag:$0x3] =	sbarrier.arrive $0xFFFF;
	s2 =	simm.s32 @!p0 $0x1C02  }
0x3a: {  	[timem:s3], [sflag:s2] =	dma.local @!p0 [hbm:s0], s1  }
0x3b: {  	s0 =	simm.s32 @!p0 $0x2  }
0x3c: {  	_ =	swait.ge @!p0 [sflag:s0], s1  }
0x3d: {  	s1 =	ssub.s32 @!p0 $0x0, s1;
	[sflag:s0] =	ssyncset.done @!p0 $0x0  }
0x3e: {  	[sflag:s0] =	ssyncadd.s32 @!p0 s1  }
0x3f: {  	[bflag:$0x3] =	sbarrier.arrive $0xFFFF  }
0x40: {  	_ =	shalt  }

</sc_bundles>
